<compile_context>
chip_gen: v7x
topology: tpu7x:2x2x1
jax: 0.10.2.dev20260603
libtpu: 0.0.44.dev20260713+nightly
codegen_flags: <defaults>
</compile_context>

<pallas_src>
import functools

import jax
import jax.numpy as jnp
from jax import lax
from jax.experimental import pallas as pl
from jax.experimental.pallas import tpu as pltpu
from jax.experimental.pallas import tpu_sc as plsc

D = 64
NW = 32
BT = 32
ST = 25
MPW = ST * BT // NW
V = 211201
VP = 211216
NFULL = V // 128


@jax.jit
def _sc_table_stage(table_t, last_pad):
    mesh = plsc.VectorSubcoreMesh(core_axis_name="c", subcore_axis_name="s")

    @functools.partial(
        pl.kernel,
        mesh=mesh,
        out_type=jax.ShapeDtypeStruct((VP // 2, 128), jnp.float32),
        scratch_types=[
            pltpu.VMEM((2, D, 128), jnp.float32),
            pltpu.VMEM((2, D, 128), jnp.float32),
            pltpu.SemaphoreType.DMA((2,)),
            pltpu.SemaphoreType.DMA((2,)),
        ],
        compiler_params=pltpu.CompilerParams(use_tc_tiling_on_sc=True,
                                             needs_layout_passes=False,
                                             disable_bounds_checks=True),
    )
    def k(tt_hbm, lp_hbm, out_hbm, buf_v, t_v, gsem, ssem):
        w = lax.axis_index("s") * 2 + lax.axis_index("c")
        iota = lax.iota(jnp.int32, 16)
        lane_grp = [iota + g * 16 for g in range(8)]
        half = [lax.shift_right_logical(lane_grp[g], 1) for g in range(8)]
        hoff = [jnp.bitwise_and(lane_grp[g], 1) * D for g in range(8)]
        nmine = (NFULL - w + NW - 1) // NW

        def slab(j):
            return w + j * NW

        def in_start(j, p):
            pltpu.async_copy(tt_hbm.at[:, pl.ds(slab(j) * 128, 128)],
                             buf_v.at[p], gsem.at[p])

        def in_wait(j, p):
            pltpu.make_async_copy(tt_hbm.at[:, pl.ds(slab(j) * 128, 128)],
                                  buf_v.at[p], gsem.at[p]).wait()

        def out_start(j, p):
            pltpu.async_copy(t_v.at[p], out_hbm.at[pl.ds(slab(j) * 64, 64)],
                             ssem.at[p])

        def out_wait(j, p):
            pltpu.make_async_copy(t_v.at[p],
                                  out_hbm.at[pl.ds(slab(j) * 64, 64)],
                                  ssem.at[p]).wait()

        def transpose(p):
            buf = buf_v.at[p]
            t = t_v.at[p]

            def body(e2, carry):
                for u in range(2):
                    e = e2 * 2 + u
                    ed = jnp.bitwise_and(iota + e, D - 1)
                    vals = [plsc.load_gather(buf, [ed, lane_grp[g]])
                            for g in range(8)]
                    for g in range(8):
                        plsc.store_scatter(t, [half[g], hoff[g] + ed],
                                           vals[g])
                return carry

            lax.fori_loop(0, D // 2, body, 0)

        pl.when(nmine > 0)(lambda: in_start(0, 0))

        def step(j, carry):
            p = j % 2
            pl.when(j >= 2)(lambda: out_wait(j - 2, p))
            pl.when(j + 1 < nmine)(lambda: in_start(j + 1, (j + 1) % 2))
            in_wait(j, p)
            transpose(p)
            out_start(j, p)
            return carry

        lax.fori_loop(0, nmine, step, 0)
        pl.when(nmine >= 2)(lambda: out_wait(nmine - 2, nmine % 2))
        pl.when(nmine >= 1)(lambda: out_wait(nmine - 1, (nmine + 1) % 2))

        def tail():
            pltpu.sync_copy(lp_hbm, buf_v.at[0, pl.ds(0, 8)])
            pltpu.sync_copy(buf_v.at[0, pl.ds(0, 8)],
                            out_hbm.at[pl.ds((V - 1) // 2, 8)])

        pl.when(w == 0)(tail)

    return k(table_t, last_pad)


@jax.jit
def _sc_gather(table216, ip_view):
    mesh = plsc.VectorSubcoreMesh(core_axis_name="c", subcore_axis_name="s")

    @functools.partial(
        pl.kernel,
        mesh=mesh,
        out_type=jax.ShapeDtypeStruct((200, 8, BT, 8, 128), jnp.float32),
        scratch_types=[
            pltpu.VMEM((2, 8, 128), jnp.int32),
            pltpu.VMEM((2, 128, D), jnp.float32),
            pltpu.VMEM((2, 8, 8, 128), jnp.float32),
            pltpu.SemaphoreType.DMA,
            pltpu.SemaphoreType.DMA((2,)),
            pltpu.SemaphoreType.DMA((2,)),
        ],
        compiler_params=pltpu.CompilerParams(use_tc_tiling_on_sc=False,
                                             needs_layout_passes=False,
                                             disable_bounds_checks=True),
    )
    def k(table_hbm, ip_hbm, out_hbm, idx_v, rows_v, t_v, isem, gsem, ssem):
        w = lax.axis_index("s") * 2 + lax.axis_index("c")
        iota = lax.iota(jnp.int32, 16)
        lane_grp = [iota + g * 16 for g in range(8)]

        def idx_start(m):
            f = w * MPW + m
            pltpu.async_copy(ip_hbm.at[f // BT, f % BT], idx_v.at[m % 2],
                             isem)

        def idx_wait(m):
            f = w * MPW + m
            pltpu.make_async_copy(ip_hbm.at[f // BT, f % BT],
                                  idx_v.at[m % 2], isem).wait()

        def gather_start(m, si):
            pltpu.async_copy(table_hbm.at[idx_v.at[m % 2, si]],
                             rows_v.at[si % 2], gsem.at[si % 2])

        def gather_wait(m, si):
            pltpu.make_async_copy(table_hbm.at[idx_v.at[m % 2, si]],
                                  rows_v.at[si % 2], gsem.at[si % 2]).wait()

        def out_slice(m, si):
            f = w * MPW + m
            return out_hbm.at[8 * (f // BT) + si, :, f % BT]

        def store_start(m, si):
            pltpu.async_copy(t_v.at[si % 2], out_slice(m, si),
                             ssem.at[si % 2])

        def store_wait(m, si):
            pltpu.make_async_copy(t_v.at[si % 2], out_slice(m, si),
                                  ssem.at[si % 2]).wait()

        def transpose(p):
            rows = rows_v.at[p]
            t = t_v.at[p]

            def body(e4, carry):
                for u in range(4):
                    e = e4 * 4 + u
                    col = jnp.bitwise_and(iota + e, D - 1)
                    te = lax.shift_right_logical(col, 3)
                    ei = jnp.bitwise_and(col, 7)
                    vals = [plsc.load_gather(rows, [lane_grp[g], col])
                            for g in range(8)]
                    for g in range(8):
                        plsc.store_scatter(t, [te, ei, lane_grp[g]], vals[g])
                return carry

            lax.fori_loop(0, D // 4, body, 0)

        idx_start(0)
        idx_wait(0)
        gather_start(0, 0)

        def step(m, si):
            p = si % 2
            if si >= 2:
                store_wait(m, si - 2)
            else:
                pl.when(m > 0)(lambda: store_wait(m - 1, si + 6))
            if si == 5:
                pl.when(m < MPW - 1)(lambda: idx_start(m + 1))
            if si == 7:

                def _boundary():
                    idx_wait(m + 1)
                    gather_start(m + 1, 0)

                pl.when(m < MPW - 1)(_boundary)
            else:
                gather_start(m, si + 1)
            gather_wait(m, si)
            transpose(p)
            store_start(m, si)

        def body(m, carry):
            for si in range(8):
                step(m, si)
            return carry

        lax.fori_loop(0, MPW, body, 0)

        store_wait(MPW - 1, 6)
        store_wait(MPW - 1, 7)

    return k(table216, ip_view)


def kernel(input_pos, pos_enc_table):
    ip = input_pos.astype(jnp.int32)
    ip_view = ip.T.reshape(ST, 8, BT, 128).transpose(0, 2, 1, 3)
    last_pad = jnp.pad(pos_enc_table[V - 1:], ((0, 7), (0, 64)))
    staged = _sc_table_stage(pos_enc_table.T, last_pad)
    table216 = staged.reshape(VP, D)
    out5 = _sc_gather(table216, ip_view)
    return out5.transpose(2, 4, 0, 1, 3).reshape(4096, 200, D)

# --- scband reference (transcript-rebuilt; emitter-appended) ---
"""Pipeline reference for scband-pos-encoding-36971078484519 (READ-ONLY COPY).

The authoritative reference and input builder live on the scoring server;
editing this copy changes nothing except your own understanding.
"""

import jax, jax.numpy as jnp
import numpy as np

D_WORD_VEC = 64
MAX_SEQ_LEN = 211200

def _build_pos_enc_table(d_word_vec, max_seq_len):
    pos = np.arange(max_seq_len, dtype=np.float64)[:, None]
    j = np.arange(d_word_vec, dtype=np.float64)[None, :]
    angle = pos / np.power(10000.0, 2.0 * np.floor(j / 2.0) / d_word_vec)
    pos_enc = angle.copy()
    pos_enc[:, 0::2] = np.sin(angle[:, 0::2])
    pos_enc[:, 1::2] = np.cos(angle[:, 1::2])
    pad_row = np.zeros([1, d_word_vec], dtype=np.float64)
    pos_enc = np.concatenate([pad_row, pos_enc], axis=0).astype(np.float32)
    return jnp.asarray(pos_enc)

def setup_inputs(seed: int = 0) -> dict:
    key = jax.random.key(seed)
    k1, _ = jax.random.split(key)
    input_pos = jax.random.randint(k1, (4096, 200), 0, MAX_SEQ_LEN, dtype=jnp.int64 if jax.config.jax_enable_x64 else jnp.int32)
    pos_enc_table = _build_pos_enc_table(D_WORD_VEC, MAX_SEQ_LEN)
    return {"input_pos": input_pos, "pos_enc_table": pos_enc_table}

def reference(input_pos, pos_enc_table):
    # nn.Embedding lookup -> gather rows of the (frozen) positional table
    return jnp.take(pos_enc_table, input_pos, axis=0)

if __name__ == "__main__":
    import jax
    _d = setup_inputs()
    print(jax.jit(kernel)(*tuple(_d.values())))

</pallas_src>

<mosaic_0001>
#map = affine_map<(d0, d1) -> (0, 0)>
module attributes {stable_mosaic.version = 14 : i64} {
  func.func @k(%arg0: i32, %arg1: i32, %arg2: memref<64x211201xf32, #tpu.memory_space<hbm>>, %arg3: memref<8x128xf32, #tpu.memory_space<hbm>>, %arg4: memref<105608x128xf32, #tpu.memory_space<hbm>>, %arg5: memref<2x64x128xf32, #tpu.memory_space<vmem>>, %arg6: memref<2x64x128xf32, #tpu.memory_space<vmem>>, %arg7: memref<2x!tpu.dma_semaphore, #tpu.memory_space<semaphore_mem>>, %arg8: memref<2x!tpu.dma_semaphore, #tpu.memory_space<semaphore_mem>>) attributes {dimension_semantics = [#tpu.dimension_semantics<core_parallel>, #tpu.dimension_semantics<subcore_parallel>], iteration_bounds = array<i64: 2, 16>, scalar_prefetch = 0 : i64, scratch_operands = 4 : i64, tpu.core_type = #tpu.core_type<sc_vector_subcore>, window_params = [{transform_indices = #map}, {transform_indices = #map}, {transform_indices = #map}]} {
    %mul3A = arith.constant 2 : i32
    %mul3A_0 = arith.muli %arg1, %mul3A : i32
    %add3A = arith.addi %mul3A_0, %arg0 : i32
    %iota3A = tpu.iota {dimensions = array<i32: 0>} : vector<16xi32>
    %add3A_1 = arith.constant 0 : i32
    %add3A_2 = vector.broadcast %add3A_1 : i32 to vector<16xi32>
    %add3A_3 = arith.addi %iota3A, %add3A_2 : vector<16xi32>
    %add3A_4 = arith.constant 16 : i32
    %add3A_5 = vector.broadcast %add3A_4 : i32 to vector<16xi32>
    %add3A_6 = arith.addi %iota3A, %add3A_5 : vector<16xi32>
    %add3A_7 = arith.constant 32 : i32
    %add3A_8 = vector.broadcast %add3A_7 : i32 to vector<16xi32>
    %add3A_9 = arith.addi %iota3A, %add3A_8 : vector<16xi32>
    %add3A_10 = arith.constant 48 : i32
    %add3A_11 = vector.broadcast %add3A_10 : i32 to vector<16xi32>
    %add3A_12 = arith.addi %iota3A, %add3A_11 : vector<16xi32>
    %add3A_13 = arith.constant 64 : i32
    %add3A_14 = vector.broadcast %add3A_13 : i32 to vector<16xi32>
    %add3A_15 = arith.addi %iota3A, %add3A_14 : vector<16xi32>
    %add3A_16 = arith.constant 80 : i32
    %add3A_17 = vector.broadcast %add3A_16 : i32 to vector<16xi32>
    %add3A_18 = arith.addi %iota3A, %add3A_17 : vector<16xi32>
    %add3A_19 = arith.constant 96 : i32
    %add3A_20 = vector.broadcast %add3A_19 : i32 to vector<16xi32>
    %add3A_21 = arith.addi %iota3A, %add3A_20 : vector<16xi32>
    %add3A_22 = arith.constant 112 : i32
    %add3A_23 = vector.broadcast %add3A_22 : i32 to vector<16xi32>
    %add3A_24 = arith.addi %iota3A, %add3A_23 : vector<16xi32>
    %shift_right_logical3A = arith.constant 1 : i32
    %shift_right_logical3A_25 = vector.broadcast %shift_right_logical3A : i32 to vector<16xi32>
    %shift_right_logical3A_26 = arith.shrui %add3A_3, %shift_right_logical3A_25 : vector<16xi32>
    %shift_right_logical3A_27 = arith.constant 1 : i32
    %shift_right_logical3A_28 = vector.broadcast %shift_right_logical3A_27 : i32 to vector<16xi32>
    %shift_right_logical3A_29 = arith.shrui %add3A_6, %shift_right_logical3A_28 : vector<16xi32>
    %shift_right_logical3A_30 = arith.constant 1 : i32
    %shift_right_logical3A_31 = vector.broadcast %shift_right_logical3A_30 : i32 to vector<16xi32>
    %shift_right_logical3A_32 = arith.shrui %add3A_9, %shift_right_logical3A_31 : vector<16xi32>
    %shift_right_logical3A_33 = arith.constant 1 : i32
    %shift_right_logical3A_34 = vector.broadcast %shift_right_logical3A_33 : i32 to vector<16xi32>
    %shift_right_logical3A_35 = arith.shrui %add3A_12, %shift_right_logical3A_34 : vector<16xi32>
    %shift_right_logical3A_36 = arith.constant 1 : i32
    %shift_right_logical3A_37 = vector.broadcast %shift_right_logical3A_36 : i32 to vector<16xi32>
    %shift_right_logical3A_38 = arith.shrui %add3A_15, %shift_right_logical3A_37 : vector<16xi32>
    %shift_right_logical3A_39 = arith.constant 1 : i32
    %shift_right_logical3A_40 = vector.broadcast %shift_right_logical3A_39 : i32 to vector<16xi32>
    %shift_right_logical3A_41 = arith.shrui %add3A_18, %shift_right_logical3A_40 : vector<16xi32>
    %shift_right_logical3A_42 = arith.constant 1 : i32
    %shift_right_logical3A_43 = vector.broadcast %shift_right_logical3A_42 : i32 to vector<16xi32>
    %shift_right_logical3A_44 = arith.shrui %add3A_21, %shift_right_logical3A_43 : vector<16xi32>
    %shift_right_logical3A_45 = arith.constant 1 : i32
    %shift_right_logical3A_46 = vector.broadcast %shift_right_logical3A_45 : i32 to vector<16xi32>
    %shift_right_logical3A_47 = arith.shrui %add3A_24, %shift_right_logical3A_46 : vector<16xi32>
    %and3A = arith.constant 1 : i32
    %and3A_48 = vector.broadcast %and3A : i32 to vector<16xi32>
    %and3A_49 = arith.andi %add3A_3, %and3A_48 : vector<16xi32>
    %mul3A_50 = arith.constant 64 : i32
    %mul3A_51 = vector.broadcast %mul3A_50 : i32 to vector<16xi32>
    %mul3A_52 = arith.muli %and3A_49, %mul3A_51 : vector<16xi32>
    %and3A_53 = arith.constant 1 : i32
    %and3A_54 = vector.broadcast %and3A_53 : i32 to vector<16xi32>
    %and3A_55 = arith.andi %add3A_6, %and3A_54 : vector<16xi32>
    %mul3A_56 = arith.constant 64 : i32
    %mul3A_57 = vector.broadcast %mul3A_56 : i32 to vector<16xi32>
    %mul3A_58 = arith.muli %and3A_55, %mul3A_57 : vector<16xi32>
    %and3A_59 = arith.constant 1 : i32
    %and3A_60 = vector.broadcast %and3A_59 : i32 to vector<16xi32>
    %and3A_61 = arith.andi %add3A_9, %and3A_60 : vector<16xi32>
    %mul3A_62 = arith.constant 64 : i32
    %mul3A_63 = vector.broadcast %mul3A_62 : i32 to vector<16xi32>
    %mul3A_64 = arith.muli %and3A_61, %mul3A_63 : vector<16xi32>
    %and3A_65 = arith.constant 1 : i32
    %and3A_66 = vector.broadcast %and3A_65 : i32 to vector<16xi32>
    %and3A_67 = arith.andi %add3A_12, %and3A_66 : vector<16xi32>
    %mul3A_68 = arith.constant 64 : i32
    %mul3A_69 = vector.broadcast %mul3A_68 : i32 to vector<16xi32>
    %mul3A_70 = arith.muli %and3A_67, %mul3A_69 : vector<16xi32>
    %and3A_71 = arith.constant 1 : i32
    %and3A_72 = vector.broadcast %and3A_71 : i32 to vector<16xi32>
    %and3A_73 = arith.andi %add3A_15, %and3A_72 : vector<16xi32>
    %mul3A_74 = arith.constant 64 : i32
    %mul3A_75 = vector.broadcast %mul3A_74 : i32 to vector<16xi32>
    %mul3A_76 = arith.muli %and3A_73, %mul3A_75 : vector<16xi32>
    %and3A_77 = arith.constant 1 : i32
    %and3A_78 = vector.broadcast %and3A_77 : i32 to vector<16xi32>
    %and3A_79 = arith.andi %add3A_18, %and3A_78 : vector<16xi32>
    %mul3A_80 = arith.constant 64 : i32
    %mul3A_81 = vector.broadcast %mul3A_80 : i32 to vector<16xi32>
    %mul3A_82 = arith.muli %and3A_79, %mul3A_81 : vector<16xi32>
    %and3A_83 = arith.constant 1 : i32
    %and3A_84 = vector.broadcast %and3A_83 : i32 to vector<16xi32>
    %and3A_85 = arith.andi %add3A_21, %and3A_84 : vector<16xi32>
    %mul3A_86 = arith.constant 64 : i32
    %mul3A_87 = vector.broadcast %mul3A_86 : i32 to vector<16xi32>
    %mul3A_88 = arith.muli %and3A_85, %mul3A_87 : vector<16xi32>
    %and3A_89 = arith.constant 1 : i32
    %and3A_90 = vector.broadcast %and3A_89 : i32 to vector<16xi32>
    %and3A_91 = arith.andi %add3A_24, %and3A_90 : vector<16xi32>
    %mul3A_92 = arith.constant 64 : i32
    %mul3A_93 = vector.broadcast %mul3A_92 : i32 to vector<16xi32>
    %mul3A_94 = arith.muli %and3A_91, %mul3A_93 : vector<16xi32>
    %sub3A = arith.constant 1650 : i32
    %sub3A_95 = arith.subi %sub3A, %add3A : i32
    %add3A_96 = arith.constant 32 : i32
    %add3A_97 = arith.addi %sub3A_95, %add3A_96 : i32
    %sub3A_98 = arith.constant 1 : i32
    %sub3A_99 = arith.subi %add3A_97, %sub3A_98 : i32
    %jit3A = arith.constant 32 : i32
    %div3A = arith.divsi %sub3A_99, %jit3A : i32
    %sign3A = arith.constant 0 : i32
    %sign3A_100 = arith.cmpi sgt, %sub3A_99, %sign3A : i32
    %sign3A_101 = arith.extui %sign3A_100 : i1 to i32
    %sign3A_102 = arith.constant 0 : i32
    %sign3A_103 = arith.cmpi slt, %sub3A_99, %sign3A_102 : i32
    %sign3A_104 = arith.extui %sign3A_103 : i1 to i32
    %sign3A_105 = arith.subi %sign3A_101, %sign3A_104 : i32
    %sign3A_106 = arith.constant 0 : i32
    %sign3A_107 = arith.cmpi sgt, %jit3A, %sign3A_106 : i32
    %sign3A_108 = arith.extui %sign3A_107 : i1 to i32
    %sign3A_109 = arith.constant 0 : i32
    %sign3A_110 = arith.cmpi slt, %jit3A, %sign3A_109 : i32
    %sign3A_111 = arith.extui %sign3A_110 : i1 to i32
    %sign3A_112 = arith.subi %sign3A_108, %sign3A_111 : i32
    %ne3A = arith.cmpi ne, %sign3A_105, %sign3A_112 : i32
    %rem3A = arith.remsi %sub3A_99, %jit3A : i32
    %ne3A_113 = arith.constant 0 : i32
    %ne3A_114 = arith.cmpi ne, %rem3A, %ne3A_113 : i32
    %and3A_115 = arith.andi %ne3A, %ne3A_114 : i1
    %sub3A_116 = arith.constant 1 : i32
    %sub3A_117 = arith.subi %div3A, %sub3A_116 : i32
    %select_n3A = arith.select %and3A_115, %sub3A_117, %div3A : i32
    %gt3A = arith.constant 0 : i32
    %gt3A_118 = arith.cmpi sgt, %select_n3A, %gt3A : i32
    %convert_element_type3A = arith.extui %gt3A_118 : i1 to i32
    %cond3A = arith.constant 0 : i32
    %cond3A_119 = arith.cmpi ne, %convert_element_type3A, %cond3A : i32
    scf.if %cond3A_119 {
      %add3A_142 = arith.constant 0 : i32
      %add3A_143 = arith.addi %add3A, %add3A_142 : i32
      %mul3A_144 = arith.constant 128 : i32
      %mul3A_145 = arith.muli %add3A_143, %mul3A_144 : i32
      %dma_start3A = arith.constant 0 : i32
      %dma_start3A_146 = arith.constant 0 : i32
      %dma_start3A_147 = arith.constant 0 : i32
      %dma_start3A_148 = arith.constant 0 : i32
      %dma_start3A_149 = tpu.memref_slice %arg5[%dma_start3A, %dma_start3A_147, %dma_start3A_148] : memref<2x64x128xf32, #tpu.memory_space<vmem>> -> memref<1x64x128xf32, #tpu.memory_space<vmem>>
      %dma_start3A_150 = tpu.memref_squeeze %dma_start3A_149 : memref<1x64x128xf32, #tpu.memory_space<vmem>> -> memref<64x128xf32, #tpu.memory_space<vmem>>
      %dma_start3A_151 = arith.constant 0 : i32
      %dma_start3A_152 = tpu.memref_slice %arg2[%dma_start3A_151, %mul3A_145] : memref<64x211201xf32, #tpu.memory_space<hbm>> -> memref<64x128xf32, #tpu.memory_space<hbm>>
      %dma_start3A_153 = tpu.memref_slice %arg7[%dma_start3A_146] : memref<2x!tpu.dma_semaphore, #tpu.memory_space<semaphore_mem>> -> memref<1x!tpu.dma_semaphore, #tpu.memory_space<semaphore_mem>>
      %dma_start3A_154 = tpu.memref_squeeze %dma_start3A_153 : memref<1x!tpu.dma_semaphore, #tpu.memory_space<semaphore_mem>> -> memref<!tpu.dma_semaphore, #tpu.memory_space<semaphore_mem>>
      %dma_start3A_155 = arith.constant 0 : i32
      %dma_start3A_156 = arith.constant 0 : i32
      %dma_start3A_157 = tpu.memref_slice %arg5[%dma_start3A, %dma_start3A_155, %dma_start3A_156] : memref<2x64x128xf32, #tpu.memory_space<vmem>> -> memref<1x64x128xf32, #tpu.memory_space<vmem>>
      %dma_start3A_158 = tpu.memref_squeeze %dma_start3A_157 : memref<1x64x128xf32, #tpu.memory_space<vmem>> -> memref<64x128xf32, #tpu.memory_space<vmem>>
      %dma_start3A_159 = arith.constant 0 : i32
      %dma_start3A_160 = tpu.memref_slice %arg2[%dma_start3A_159, %mul3A_145] : memref<64x211201xf32, #tpu.memory_space<hbm>> -> memref<64x128xf32, #tpu.memory_space<hbm>>
      tpu.enqueue_dma source(%dma_start3A_160 : memref<64x128xf32, #tpu.memory_space<hbm>>) target(%dma_start3A_158 : memref<64x128xf32, #tpu.memory_space<vmem>>) target_semaphore(%dma_start3A_154 : memref<!tpu.dma_semaphore, #tpu.memory_space<semaphore_mem>>)
    } else {
    }
    %while3A = arith.constant 0 : i32
    %while3A_120 = arith.constant 0 : i32
    %while3A_121 = arith.subi %select_n3A, %while3A_120 : i32
    %while3A_122 = arith.addi %while3A_120, %while3A_121 : i32
    %while3A_123 = arith.constant 1 : i32
    %while3A_124 = arith.divsi %while3A_121, %while3A_123 : i32
    %while3A_125 = arith.muli %while3A_124, %while3A_123 : i32
    %while3A_126 = arith.addi %while3A_120, %while3A_125 : i32
    %while3A_127 = arith.constant 1 : i32
    scf.for %while3A_142 = %while3A_120 to %while3A_126 step %while3A_127  : i32 {
      %jit3A_143 = arith.constant 2 : i32
      %eq3A_144 = arith.constant 0 : i32
      %eq3A_145 = arith.cmpi eq, %jit3A_143, %eq3A_144 : i32
      %jit3A_146 = arith.constant 1 : i32
      %select_n3A_147 = arith.select %eq3A_145, %jit3A_146, %jit3A_143 : i32
      %rem3A_148 = arith.remsi %while3A_142, %select_n3A_147 : i32
      %ne3A_149 = arith.constant 0 : i32
      %ne3A_150 = arith.cmpi ne, %rem3A_148, %ne3A_149 : i32
      %lt3A = arith.constant 0 : i32
      %lt3A_151 = arith.cmpi slt, %rem3A_148, %lt3A : i32
      %lt3A_152 = arith.constant 0 : i32
      %lt3A_153 = arith.cmpi slt, %select_n3A_147, %lt3A_152 : i32
      %ne3A_154 = arith.xori %lt3A_151, %lt3A_153 : i1
      %and3A_155 = arith.andi %ne3A_154, %ne3A_150 : i1
      %add3A_156 = arith.addi %rem3A_148, %select_n3A_147 : i32
      %select_n3A_157 = arith.select %and3A_155, %add3A_156, %rem3A_148 : i32
      %ge3A_158 = arith.constant 2 : i32
      %ge3A_159 = arith.cmpi sge, %while3A_142, %ge3A_158 : i32
      %convert_element_type3A_160 = arith.extui %ge3A_159 : i1 to i32
      %cond3A_161 = arith.constant 0 : i32
      %cond3A_162 = arith.cmpi ne, %convert_element_type3A_160, %cond3A_161 : i32
      scf.if %cond3A_162 {
        %sub3A_210 = arith.constant 2 : i32
        %sub3A_211 = arith.subi %while3A_142, %sub3A_210 : i32
        %mul3A_212 = arith.constant 32 : i32
        %mul3A_213 = arith.muli %sub3A_211, %mul3A_212 : i32
        %add3A_214 = arith.addi %add3A, %mul3A_213 : i32
        %mul3A_215 = arith.constant 64 : i32
        %mul3A_216 = arith.muli %add3A_214, %mul3A_215 : i32
        %dma_wait3A_217 = arith.constant 0 : i32
        %dma_wait3A_218 = arith.constant 0 : i32
        %dma_wait3A_219 = tpu.memref_slice %arg6[%select_n3A_157, %dma_wait3A_217, %dma_wait3A_218] : memref<2x64x128xf32, #tpu.memory_space<vmem>> -> memref<1x64x128xf32, #tpu.memory_space<vmem>>
        %dma_wait3A_220 = tpu.memref_squeeze %dma_wait3A_219 : memref<1x64x128xf32, #tpu.memory_space<vmem>> -> memref<64x128xf32, #tpu.memory_space<vmem>>
        %dma_wait3A_221 = arith.constant 0 : i32
        %dma_wait3A_222 = tpu.memref_slice %arg4[%mul3A_216, %dma_wait3A_221] : memref<105608x128xf32, #tpu.memory_space<hbm>> -> memref<64x128xf32, #tpu.memory_space<hbm>>
        %dma_wait3A_223 = tpu.memref_slice %arg8[%select_n3A_157] : memref<2x!tpu.dma_semaphore, #tpu.memory_space<semaphore_mem>> -> memref<1x!tpu.dma_semaphore, #tpu.memory_space<semaphore_mem>>
        %dma_wait3A_224 = tpu.memref_squeeze %dma_wait3A_223 : memref<1x!tpu.dma_semaphore, #tpu.memory_space<semaphore_mem>> -> memref<!tpu.dma_semaphore, #tpu.memory_space<semaphore_mem>>
        %dma_wait3A_225 = arith.constant 0 : i32
        %dma_wait3A_226 = tpu.memref_slice %arg4[%mul3A_216, %dma_wait3A_225] : memref<105608x128xf32, #tpu.memory_space<hbm>> -> memref<64x128xf32, #tpu.memory_space<hbm>>
        %dma_wait3A_227 = arith.constant 0 : i32
        %dma_wait3A_228 = arith.constant 0 : i32
        %dma_wait3A_229 = tpu.memref_slice %arg6[%select_n3A_157, %dma_wait3A_227, %dma_wait3A_228] : memref<2x64x128xf32, #tpu.memory_space<vmem>> -> memref<1x64x128xf32, #tpu.memory_space<vmem>>
        %dma_wait3A_230 = tpu.memref_squeeze %dma_wait3A_229 : memref<1x64x128xf32, #tpu.memory_space<vmem>> -> memref<64x128xf32, #tpu.memory_space<vmem>>
        tpu.wait_dma2 semaphore(%dma_wait3A_224 : memref<!tpu.dma_semaphore, #tpu.memory_space<semaphore_mem>>) src(%dma_wait3A_230 : memref<64x128xf32, #tpu.memory_space<vmem>>) dst(%dma_wait3A_226 : memref<64x128xf32, #tpu.memory_space<hbm>>)
      } else {
      }
      %add3A_163 = arith.constant 1 : i32
      %add3A_164 = arith.addi %while3A_142, %add3A_163 : i32
      %lt3A_165 = arith.cmpi slt, %add3A_164, %select_n3A : i32
      %convert_element_type3A_166 = arith.extui %lt3A_165 : i1 to i32
      %cond3A_167 = arith.constant 0 : i32
      %cond3A_168 = arith.cmpi ne, %convert_element_type3A_166, %cond3A_167 : i32
      scf.if %cond3A_168 {
        %add3A_210 = arith.constant 1 : i32
        %add3A_211 = arith.addi %while3A_142, %add3A_210 : i32
        %add3A_212 = arith.constant 1 : i32
        %add3A_213 = arith.addi %while3A_142, %add3A_212 : i32
        %jit3A_214 = arith.constant 2 : i32
        %eq3A_215 = arith.constant 0 : i32
        %eq3A_216 = arith.cmpi eq, %jit3A_214, %eq3A_215 : i32
        %jit3A_217 = arith.constant 1 : i32
        %select_n3A_218 = arith.select %eq3A_216, %jit3A_217, %jit3A_214 : i32
        %rem3A_219 = arith.remsi %add3A_213, %select_n3A_218 : i32
        %ne3A_220 = arith.constant 0 : i32
        %ne3A_221 = arith.cmpi ne, %rem3A_219, %ne3A_220 : i32
        %lt3A_222 = arith.constant 0 : i32
        %lt3A_223 = arith.cmpi slt, %rem3A_219, %lt3A_222 : i32
        %lt3A_224 = arith.constant 0 : i32
        %lt3A_225 = arith.cmpi slt, %select_n3A_218, %lt3A_224 : i32
        %ne3A_226 = arith.xori %lt3A_223, %lt3A_225 : i1
        %and3A_227 = arith.andi %ne3A_226, %ne3A_221 : i1
        %add3A_228 = arith.addi %rem3A_219, %select_n3A_218 : i32
        %select_n3A_229 = arith.select %and3A_227, %add3A_228, %rem3A_219 : i32
        %mul3A_230 = arith.constant 32 : i32
        %mul3A_231 = arith.muli %add3A_211, %mul3A_230 : i32
        %add3A_232 = arith.addi %add3A, %mul3A_231 : i32
        %mul3A_233 = arith.constant 128 : i32
        %mul3A_234 = arith.muli %add3A_232, %mul3A_233 : i32
        %dma_start3A_235 = arith.constant 0 : i32
        %dma_start3A_236 = arith.constant 0 : i32
        %dma_start3A_237 = tpu.memref_slice %arg5[%select_n3A_229, %dma_start3A_235, %dma_start3A_236] : memref<2x64x128xf32, #tpu.memory_space<vmem>> -> memref<1x64x128xf32, #tpu.memory_space<vmem>>
        %dma_start3A_238 = tpu.memref_squeeze %dma_start3A_237 : memref<1x64x128xf32, #tpu.memory_space<vmem>> -> memref<64x128xf32, #tpu.memory_space<vmem>>
        %dma_start3A_239 = arith.constant 0 : i32
        %dma_start3A_240 = tpu.memref_slice %arg2[%dma_start3A_239, %mul3A_234] : memref<64x211201xf32, #tpu.memory_space<hbm>> -> memref<64x128xf32, #tpu.memory_space<hbm>>
        %dma_start3A_241 = tpu.memref_slice %arg7[%select_n3A_229] : memref<2x!tpu.dma_semaphore, #tpu.memory_space<semaphore_mem>> -> memref<1x!tpu.dma_semaphore, #tpu.memory_space<semaphore_mem>>
        %dma_start3A_242 = tpu.memref_squeeze %dma_start3A_241 : memref<1x!tpu.dma_semaphore, #tpu.memory_space<semaphore_mem>> -> memref<!tpu.dma_semaphore, #tpu.memory_space<semaphore_mem>>
        %dma_start3A_243 = arith.constant 0 : i32
        %dma_start3A_244 = arith.constant 0 : i32
        %dma_start3A_245 = tpu.memref_slice %arg5[%select_n3A_229, %dma_start3A_243, %dma_start3A_244] : memref<2x64x128xf32, #tpu.memory_space<vmem>> -> memref<1x64x128xf32, #tpu.memory_space<vmem>>
        %dma_start3A_246 = tpu.memref_squeeze %dma_start3A_245 : memref<1x64x128xf32, #tpu.memory_space<vmem>> -> memref<64x128xf32, #tpu.memory_space<vmem>>
        %dma_start3A_247 = arith.constant 0 : i32
        %dma_start3A_248 = tpu.memref_slice %arg2[%dma_start3A_247, %mul3A_234] : memref<64x211201xf32, #tpu.memory_space<hbm>> -> memref<64x128xf32, #tpu.memory_space<hbm>>
        tpu.enqueue_dma source(%dma_start3A_248 : memref<64x128xf32, #tpu.memory_space<hbm>>) target(%dma_start3A_246 : memref<64x128xf32, #tpu.memory_space<vmem>>) target_semaphore(%dma_start3A_242 : memref<!tpu.dma_semaphore, #tpu.memory_space<semaphore_mem>>)
      } else {
      }
      %mul3A_169 = arith.constant 32 : i32
      %mul3A_170 = arith.muli %while3A_142, %mul3A_169 : i32
      %add3A_171 = arith.addi %add3A, %mul3A_170 : i32
      %mul3A_172 = arith.constant 128 : i32
      %mul3A_173 = arith.muli %add3A_171, %mul3A_172 : i32
      %dma_wait3A = arith.constant 0 : i32
      %dma_wait3A_174 = arith.constant 0 : i32
      %dma_wait3A_175 = tpu.memref_slice %arg5[%select_n3A_157, %dma_wait3A, %dma_wait3A_174] : memref<2x64x128xf32, #tpu.memory_space<vmem>> -> memref<1x64x128xf32, #tpu.memory_space<vmem>>
      %dma_wait3A_176 = tpu.memref_squeeze %dma_wait3A_175 : memref<1x64x128xf32, #tpu.memory_space<vmem>> -> memref<64x128xf32, #tpu.memory_space<vmem>>
      %dma_wait3A_177 = arith.constant 0 : i32
      %dma_wait3A_178 = tpu.memref_slice %arg2[%dma_wait3A_177, %mul3A_173] : memref<64x211201xf32, #tpu.memory_space<hbm>> -> memref<64x128xf32, #tpu.memory_space<hbm>>
      %dma_wait3A_179 = tpu.memref_slice %arg7[%select_n3A_157] : memref<2x!tpu.dma_semaphore, #tpu.memory_space<semaphore_mem>> -> memref<1x!tpu.dma_semaphore, #tpu.memory_space<semaphore_mem>>
      %dma_wait3A_180 = tpu.memref_squeeze %dma_wait3A_179 : memref<1x!tpu.dma_semaphore, #tpu.memory_space<semaphore_mem>> -> memref<!tpu.dma_semaphore, #tpu.memory_space<semaphore_mem>>
      %dma_wait3A_181 = arith.constant 0 : i32
      %dma_wait3A_182 = arith.constant 0 : i32
      %dma_wait3A_183 = tpu.memref_slice %arg5[%select_n3A_157, %dma_wait3A_181, %dma_wait3A_182] : memref<2x64x128xf32, #tpu.memory_space<vmem>> -> memref<1x64x128xf32, #tpu.memory_space<vmem>>
      %dma_wait3A_184 = tpu.memref_squeeze %dma_wait3A_183 : memref<1x64x128xf32, #tpu.memory_space<vmem>> -> memref<64x128xf32, #tpu.memory_space<vmem>>
      %dma_wait3A_185 = arith.constant 0 : i32
      %dma_wait3A_186 = tpu.memref_slice %arg2[%dma_wait3A_185, %mul3A_173] : memref<64x211201xf32, #tpu.memory_space<hbm>> -> memref<64x128xf32, #tpu.memory_space<hbm>>
      tpu.wait_dma2 semaphore(%dma_wait3A_180 : memref<!tpu.dma_semaphore, #tpu.memory_space<semaphore_mem>>) src(%dma_wait3A_186 : memref<64x128xf32, #tpu.memory_space<hbm>>) dst(%dma_wait3A_184 : memref<64x128xf32, #tpu.memory_space<vmem>>)
      %scan3A = arith.constant 0 : i32
      %scan3A_187 = arith.constant 0 : i32
      %scan3A_188 = arith.constant 32 : i32
      %scan3A_189 = arith.addi %scan3A_187, %scan3A_188 : i32
      %scan3A_190 = arith.constant 1 : i32
      scf.for %scan3A_210 = %scan3A_187 to %scan3A_189 step %scan3A_190  : i32 {
        %mul3A_211 = arith.constant 2 : i32
        %mul3A_212 = arith.muli %scan3A_210, %mul3A_211 : i32
        %add3A_213 = arith.constant 0 : i32
        %add3A_214 = arith.addi %mul3A_212, %add3A_213 : i32
        %add3A_215 = vector.broadcast %add3A_214 : i32 to vector<16xi32>
        %add3A_216 = arith.addi %iota3A, %add3A_215 : vector<16xi32>
        %and3A_217 = arith.constant 63 : i32
        %and3A_218 = vector.broadcast %and3A_217 : i32 to vector<16xi32>
        %and3A_219 = arith.andi %add3A_216, %and3A_218 : vector<16xi32>
        %gather3A = arith.constant 0 : i32
        %gather3A_220 = arith.constant 0 : i32
        %gather3A_221 = tpu.memref_slice %arg5[%select_n3A_157, %gather3A, %gather3A_220] : memref<2x64x128xf32, #tpu.memory_space<vmem>> -> memref<1x64x128xf32, #tpu.memory_space<vmem>>
        %gather3A_222 = tpu.memref_squeeze %gather3A_221 : memref<1x64x128xf32, #tpu.memory_space<vmem>> -> memref<64x128xf32, #tpu.memory_space<vmem>>
        %gather3A_223 = tpu.vector_load_idx %gather3A_222[%and3A_219, %add3A_3] : memref<64x128xf32, #tpu.memory_space<vmem>>[vector<16xi32>, vector<16xi32>], vector<16xf32>,
        %gather3A_224 = arith.constant 0 : i32
        %gather3A_225 = arith.constant 0 : i32
        %gather3A_226 = tpu.memref_slice %arg5[%select_n3A_157, %gather3A_224, %gather3A_225] : memref<2x64x128xf32, #tpu.memory_space<vmem>> -> memref<1x64x128xf32, #tpu.memory_space<vmem>>
        %gather3A_227 = tpu.memref_squeeze %gather3A_226 : memref<1x64x128xf32, #tpu.memory_space<vmem>> -> memref<64x128xf32, #tpu.memory_space<vmem>>
        %gather3A_228 = tpu.vector_load_idx %gather3A_227[%and3A_219, %add3A_6] : memref<64x128xf32, #tpu.memory_space<vmem>>[vector<16xi32>, vector<16xi32>], vector<16xf32>,
        %gather3A_229 = arith.constant 0 : i32
        %gather3A_230 = arith.constant 0 : i32
        %gather3A_231 = tpu.memref_slice %arg5[%select_n3A_157, %gather3A_229, %gather3A_230] : memref<2x64x128xf32, #tpu.memory_space<vmem>> -> memref<1x64x128xf32, #tpu.memory_space<vmem>>
        %gather3A_232 = tpu.memref_squeeze %gather3A_231 : memref<1x64x128xf32, #tpu.memory_space<vmem>> -> memref<64x128xf32, #tpu.memory_space<vmem>>
        %gather3A_233 = tpu.vector_load_idx %gather3A_232[%and3A_219, %add3A_9] : memref<64x128xf32, #tpu.memory_space<vmem>>[vector<16xi32>, vector<16xi32>], vector<16xf32>,
        %gather3A_234 = arith.constant 0 : i32
        %gather3A_235 = arith.constant 0 : i32
        %gather3A_236 = tpu.memref_slice %arg5[%select_n3A_157, %gather3A_234, %gather3A_235] : memref<2x64x128xf32, #tpu.memory_space<vmem>> -> memref<1x64x128xf32, #tpu.memory_space<vmem>>
        %gather3A_237 = tpu.memref_squeeze %gather3A_236 : memref<1x64x128xf32, #tpu.memory_space<vmem>> -> memref<64x128xf32, #tpu.memory_space<vmem>>
        %gather3A_238 = tpu.vector_load_idx %gather3A_237[%and3A_219, %add3A_12] : memref<64x128xf32, #tpu.memory_space<vmem>>[vector<16xi32>, vector<16xi32>], vector<16xf32>,
        %gather3A_239 = arith.constant 0 : i32
        %gather3A_240 = arith.constant 0 : i32
        %gather3A_241 = tpu.memref_slice %arg5[%select_n3A_157, %gather3A_239, %gather3A_240] : memref<2x64x128xf32, #tpu.memory_space<vmem>> -> memref<1x64x128xf32, #tpu.memory_space<vmem>>
        %gather3A_242 = tpu.memref_squeeze %gather3A_241 : memref<1x64x128xf32, #tpu.memory_space<vmem>> -> memref<64x128xf32, #tpu.memory_space<vmem>>
        %gather3A_243 = tpu.vector_load_idx %gather3A_242[%and3A_219, %add3A_15] : memref<64x128xf32, #tpu.memory_space<vmem>>[vector<16xi32>, vector<16xi32>], vector<16xf32>,
        %gather3A_244 = arith.constant 0 : i32
        %gather3A_245 = arith.constant 0 : i32
        %gather3A_246 = tpu.memref_slice %arg5[%select_n3A_157, %gather3A_244, %gather3A_245] : memref<2x64x128xf32, #tpu.memory_space<vmem>> -> memref<1x64x128xf32, #tpu.memory_space<vmem>>
        %gather3A_247 = tpu.memref_squeeze %gather3A_246 : memref<1x64x128xf32, #tpu.memory_space<vmem>> -> memref<64x128xf32, #tpu.memory_space<vmem>>
        %gather3A_248 = tpu.vector_load_idx %gather3A_247[%and3A_219, %add3A_18] : memref<64x128xf32, #tpu.memory_space<vmem>>[vector<16xi32>, vector<16xi32>], vector<16xf32>,
        %gather3A_249 = arith.constant 0 : i32
        %gather3A_250 = arith.constant 0 : i32
        %gather3A_251 = tpu.memref_slice %arg5[%select_n3A_157, %gather3A_249, %gather3A_250] : memref<2x64x128xf32, #tpu.memory_space<vmem>> -> memref<1x64x128xf32, #tpu.memory_space<vmem>>
        %gather3A_252 = tpu.memref_squeeze %gather3A_251 : memref<1x64x128xf32, #tpu.memory_space<vmem>> -> memref<64x128xf32, #tpu.memory_space<vmem>>
        %gather3A_253 = tpu.vector_load_idx %gather3A_252[%and3A_219, %add3A_21] : memref<64x128xf32, #tpu.memory_space<vmem>>[vector<16xi32>, vector<16xi32>], vector<16xf32>,
        %gather3A_254 = arith.constant 0 : i32
        %gather3A_255 = arith.constant 0 : i32
        %gather3A_256 = tpu.memref_slice %arg5[%select_n3A_157, %gather3A_254, %gather3A_255] : memref<2x64x128xf32, #tpu.memory_space<vmem>> -> memref<1x64x128xf32, #tpu.memory_space<vmem>>
        %gather3A_257 = tpu.memref_squeeze %gather3A_256 : memref<1x64x128xf32, #tpu.memory_space<vmem>> -> memref<64x128xf32, #tpu.memory_space<vmem>>
        %gather3A_258 = tpu.vector_load_idx %gather3A_257[%and3A_219, %add3A_24] : memref<64x128xf32, #tpu.memory_space<vmem>>[vector<16xi32>, vector<16xi32>], vector<16xf32>,
        %add3A_259 = arith.addi %mul3A_52, %and3A_219 : vector<16xi32>
        %scatter3A = arith.constant 0 : i32
        %scatter3A_260 = arith.constant 0 : i32
        %scatter3A_261 = tpu.memref_slice %arg6[%select_n3A_157, %scatter3A, %scatter3A_260] : memref<2x64x128xf32, #tpu.memory_space<vmem>> -> memref<1x64x128xf32, #tpu.memory_space<vmem>>
        %scatter3A_262 = tpu.memref_squeeze %scatter3A_261 : memref<1x64x128xf32, #tpu.memory_space<vmem>> -> memref<64x128xf32, #tpu.memory_space<vmem>>
        tpu.vector_store_idx %scatter3A_262[%shift_right_logical3A_26, %add3A_259], %gather3A_223 : memref<64x128xf32, #tpu.memory_space<vmem>>[vector<16xi32>, vector<16xi32>], vector<16xf32>,
        %add3A_263 = arith.addi %mul3A_58, %and3A_219 : vector<16xi32>
        %scatter3A_264 = arith.constant 0 : i32
        %scatter3A_265 = arith.constant 0 : i32
        %scatter3A_266 = tpu.memref_slice %arg6[%select_n3A_157, %scatter3A_264, %scatter3A_265] : memref<2x64x128xf32, #tpu.memory_space<vmem>> -> memref<1x64x128xf32, #tpu.memory_space<vmem>>
        %scatter3A_267 = tpu.memref_squeeze %scatter3A_266 : memref<1x64x128xf32, #tpu.memory_space<vmem>> -> memref<64x128xf32, #tpu.memory_space<vmem>>
        tpu.vector_store_idx %scatter3A_267[%shift_right_logical3A_29, %add3A_263], %gather3A_228 : memref<64x128xf32, #tpu.memory_space<vmem>>[vector<16xi32>, vector<16xi32>], vector<16xf32>,
        %add3A_268 = arith.addi %mul3A_64, %and3A_219 : vector<16xi32>
        %scatter3A_269 = arith.constant 0 : i32
        %scatter3A_270 = arith.constant 0 : i32
        %scatter3A_271 = tpu.memref_slice %arg6[%select_n3A_157, %scatter3A_269, %scatter3A_270] : memref<2x64x128xf32, #tpu.memory_space<vmem>> -> memref<1x64x128xf32, #tpu.memory_space<vmem>>
        %scatter3A_272 = tpu.memref_squeeze %scatter3A_271 : memref<1x64x128xf32, #tpu.memory_space<vmem>> -> memref<64x128xf32, #tpu.memory_space<vmem>>
        tpu.vector_store_idx %scatter3A_272[%shift_right_logical3A_32, %add3A_268], %gather3A_233 : memref<64x128xf32, #tpu.memory_space<vmem>>[vector<16xi32>, vector<16xi32>], vector<16xf32>,
        %add3A_273 = arith.addi %mul3A_70, %and3A_219 : vector<16xi32>
        %scatter3A_274 = arith.constant 0 : i32
        %scatter3A_275 = arith.constant 0 : i32
        %scatter3A_276 = tpu.memref_slice %arg6[%select_n3A_157, %scatter3A_274, %scatter3A_275] : memref<2x64x128xf32, #tpu.memory_space<vmem>> -> memref<1x64x128xf32, #tpu.memory_space<vmem>>
        %scatter3A_277 = tpu.memref_squeeze %scatter3A_276 : memref<1x64x128xf32, #tpu.memory_space<vmem>> -> memref<64x128xf32, #tpu.memory_space<vmem>>
        tpu.vector_store_idx %scatter3A_277[%shift_right_logical3A_35, %add3A_273], %gather3A_238 : memref<64x128xf32, #tpu.memory_space<vmem>>[vector<16xi32>, vector<16xi32>], vector<16xf32>,
        %add3A_278 = arith.addi %mul3A_76, %and3A_219 : vector<16xi32>
        %scatter3A_279 = arith.constant 0 : i32
        %scatter3A_280 = arith.constant 0 : i32
        %scatter3A_281 = tpu.memref_slice %arg6[%select_n3A_157, %scatter3A_279, %scatter3A_280] : memref<2x64x128xf32, #tpu.memory_space<vmem>> -> memref<1x64x128xf32, #tpu.memory_space<vmem>>
        %scatter3A_282 = tpu.memref_squeeze %scatter3A_281 : memref<1x64x128xf32, #tpu.memory_space<vmem>> -> memref<64x128xf32, #tpu.memory_space<vmem>>
        tpu.vector_store_idx %scatter3A_282[%shift_right_logical3A_38, %add3A_278], %gather3A_243 : memref<64x128xf32, #tpu.memory_space<vmem>>[vector<16xi32>, vector<16xi32>], vector<16xf32>,
        %add3A_283 = arith.addi %mul3A_82, %and3A_219 : vector<16xi32>
        %scatter3A_284 = arith.constant 0 : i32
        %scatter3A_285 = arith.constant 0 : i32
        %scatter3A_286 = tpu.memref_slice %arg6[%select_n3A_157, %scatter3A_284, %scatter3A_285] : memref<2x64x128xf32, #tpu.memory_space<vmem>> -> memref<1x64x128xf32, #tpu.memory_space<vmem>>
        %scatter3A_287 = tpu.memref_squeeze %scatter3A_286 : memref<1x64x128xf32, #tpu.memory_space<vmem>> -> memref<64x128xf32, #tpu.memory_space<vmem>>
        tpu.vector_store_idx %scatter3A_287[%shift_right_logical3A_41, %add3A_283], %gather3A_248 : memref<64x128xf32, #tpu.memory_space<vmem>>[vector<16xi32>, vector<16xi32>], vector<16xf32>,
        %add3A_288 = arith.addi %mul3A_88, %and3A_219 : vector<16xi32>
        %scatter3A_289 = arith.constant 0 : i32
        %scatter3A_290 = arith.constant 0 : i32
        %scatter3A_291 = tpu.memref_slice %arg6[%select_n3A_157, %scatter3A_289, %scatter3A_290] : memref<2x64x128xf32, #tpu.memory_space<vmem>> -> memref<1x64x128xf32, #tpu.memory_space<vmem>>
        %scatter3A_292 = tpu.memref_squeeze %scatter3A_291 : memref<1x64x128xf32, #tpu.memory_space<vmem>> -> memref<64x128xf32, #tpu.memory_space<vmem>>
        tpu.vector_store_idx %scatter3A_292[%shift_right_logical3A_44, %add3A_288], %gather3A_253 : memref<64x128xf32, #tpu.memory_space<vmem>>[vector<16xi32>, vector<16xi32>], vector<16xf32>,
        %add3A_293 = arith.addi %mul3A_94, %and3A_219 : vector<16xi32>
        %scatter3A_294 = arith.constant 0 : i32
        %scatter3A_295 = arith.constant 0 : i32
        %scatter3A_296 = tpu.memref_slice %arg6[%select_n3A_157, %scatter3A_294, %scatter3A_295] : memref<2x64x128xf32, #tpu.memory_space<vmem>> -> memref<1x64x128xf32, #tpu.memory_space<vmem>>
        %scatter3A_297 = tpu.memref_squeeze %scatter3A_296 : memref<1x64x128xf32, #tpu.memory_space<vmem>> -> memref<64x128xf32, #tpu.memory_space<vmem>>
        tpu.vector_store_idx %scatter3A_297[%shift_right_logical3A_47, %add3A_293], %gather3A_258 : memref<64x128xf32, #tpu.memory_space<vmem>>[vector<16xi32>, vector<16xi32>], vector<16xf32>,
        %mul3A_298 = arith.constant 2 : i32
        %mul3A_299 = arith.muli %scan3A_210, %mul3A_298 : i32
        %add3A_300 = arith.constant 1 : i32
        %add3A_301 = arith.addi %mul3A_299, %add3A_300 : i32
        %add3A_302 = vector.broadcast %add3A_301 : i32 to vector<16xi32>
        %add3A_303 = arith.addi %iota3A, %add3A_302 : vector<16xi32>
        %and3A_304 = arith.constant 63 : i32
        %and3A_305 = vector.broadcast %and3A_304 : i32 to vector<16xi32>
        %and3A_306 = arith.andi %add3A_303, %and3A_305 : vector<16xi32>
        %gather3A_307 = arith.constant 0 : i32
        %gather3A_308 = arith.constant 0 : i32
        %gather3A_309 = tpu.memref_slice %arg5[%select_n3A_157, %gather3A_307, %gather3A_308] : memref<2x64x128xf32, #tpu.memory_space<vmem>> -> memref<1x64x128xf32, #tpu.memory_space<vmem>>
        %gather3A_310 = tpu.memref_squeeze %gather3A_309 : memref<1x64x128xf32, #tpu.memory_space<vmem>> -> memref<64x128xf32, #tpu.memory_space<vmem>>
        %gather3A_311 = tpu.vector_load_idx %gather3A_310[%and3A_306, %add3A_3] : memref<64x128xf32, #tpu.memory_space<vmem>>[vector<16xi32>, vector<16xi32>], vector<16xf32>,
        %gather3A_312 = arith.constant 0 : i32
        %gather3A_313 = arith.constant 0 : i32
        %gather3A_314 = tpu.memref_slice %arg5[%select_n3A_157, %gather3A_312, %gather3A_313] : memref<2x64x128xf32, #tpu.memory_space<vmem>> -> memref<1x64x128xf32, #tpu.memory_space<vmem>>
        %gather3A_315 = tpu.memref_squeeze %gather3A_314 : memref<1x64x128xf32, #tpu.memory_space<vmem>> -> memref<64x128xf32, #tpu.memory_space<vmem>>
        %gather3A_316 = tpu.vector_load_idx %gather3A_315[%and3A_306, %add3A_6] : memref<64x128xf32, #tpu.memory_space<vmem>>[vector<16xi32>, vector<16xi32>], vector<16xf32>,
        %gather3A_317 = arith.constant 0 : i32
        %gather3A_318 = arith.constant 0 : i32
        %gather3A_319 = tpu.memref_slice %arg5[%select_n3A_157, %gather3A_317, %gather3A_318] : memref<2x64x128xf32, #tpu.memory_space<vmem>> -> memref<1x64x128xf32, #tpu.memory_space<vmem>>
        %gather3A_320 = tpu.memref_squeeze %gather3A_319 : memref<1x64x128xf32, #tpu.memory_space<vmem>> -> memref<64x128xf32, #tpu.memory_space<vmem>>
        %gather3A_321 = tpu.vector_load_idx %gather3A_320[%and3A_306, %add3A_9] : memref<64x128xf32, #tpu.memory_space<vmem>>[vector<16xi32>, vector<16xi32>], vector<16xf32>,
        %gather3A_322 = arith.constant 0 : i32
        %gather3A_323 = arith.constant 0 : i32
        %gather3A_324 = tpu.memref_slice %arg5[%select_n3A_157, %gather3A_322, %gather3A_323] : memref<2x64x128xf32, #tpu.memory_space<vmem>> -> memref<1x64x128xf32, #tpu.memory_space<vmem>>
        %gather3A_325 = tpu.memref_squeeze %gather3A_324 : memref<1x64x128xf32, #tpu.memory_space<vmem>> -> memref<64x128xf32, #tpu.memory_space<vmem>>
        %gather3A_326 = tpu.vector_load_idx %gather3A_325[%and3A_306, %add3A_12] : memref<64x128xf32, #tpu.memory_space<vmem>>[vector<16xi32>, vector<16xi32>], vector<16xf32>,
        %gather3A_327 = arith.constant 0 : i32
        %gather3A_328 = arith.constant 0 : i32
        %gather3A_329 = tpu.memref_slice %arg5[%select_n3A_157, %gather3A_327, %gather3A_328] : memref<2x64x128xf32, #tpu.memory_space<vmem>> -> memref<1x64x128xf32, #tpu.memory_space<vmem>>
        %gather3A_330 = tpu.memref_squeeze %gather3A_329 : memref<1x64x128xf32, #tpu.memory_space<vmem>> -> memref<64x128xf32, #tpu.memory_space<vmem>>
        %gather3A_331 = tpu.vector_load_idx %gather3A_330[%and3A_306, %add3A_15] : memref<64x128xf32, #tpu.memory_space<vmem>>[vector<16xi32>, vector<16xi32>], vector<16xf32>,
        %gather3A_332 = arith.constant 0 : i32
        %gather3A_333 = arith.constant 0 : i32
        %gather3A_334 = tpu.memref_slice %arg5[%select_n3A_157, %gather3A_332, %gather3A_333] : memref<2x64x128xf32, #tpu.memory_space<vmem>> -> memref<1x64x128xf32, #tpu.memory_space<vmem>>
        %gather3A_335 = tpu.memref_squeeze %gather3A_334 : memref<1x64x128xf32, #tpu.memory_space<vmem>> -> memref<64x128xf32, #tpu.memory_space<vmem>>
        %gather3A_336 = tpu.vector_load_idx %gather3A_335[%and3A_306, %add3A_18] : memref<64x128xf32, #tpu.memory_space<vmem>>[vector<16xi32>, vector<16xi32>], vector<16xf32>,
        %gather3A_337 = arith.constant 0 : i32
        %gather3A_338 = arith.constant 0 : i32
        %gather3A_339 = tpu.memref_slice %arg5[%select_n3A_157, %gather3A_337, %gather3A_338] : memref<2x64x128xf32, #tpu.memory_space<vmem>> -> memref<1x64x128xf32, #tpu.memory_space<vmem>>
        %gather3A_340 = tpu.memref_squeeze %gather3A_339 : memref<1x64x128xf32, #tpu.memory_space<vmem>> -> memref<64x128xf32, #tpu.memory_space<vmem>>
        %gather3A_341 = tpu.vector_load_idx %gather3A_340[%and3A_306, %add3A_21] : memref<64x128xf32, #tpu.memory_space<vmem>>[vector<16xi32>, vector<16xi32>], vector<16xf32>,
        %gather3A_342 = arith.constant 0 : i32
        %gather3A_343 = arith.constant 0 : i32
        %gather3A_344 = tpu.memref_slice %arg5[%select_n3A_157, %gather3A_342, %gather3A_343] : memref<2x64x128xf32, #tpu.memory_space<vmem>> -> memref<1x64x128xf32, #tpu.memory_space<vmem>>
        %gather3A_345 = tpu.memref_squeeze %gather3A_344 : memref<1x64x128xf32, #tpu.memory_space<vmem>> -> memref<64x128xf32, #tpu.memory_space<vmem>>
        %gather3A_346 = tpu.vector_load_idx %gather3A_345[%and3A_306, %add3A_24] : memref<64x128xf32, #tpu.memory_space<vmem>>[vector<16xi32>, vector<16xi32>], vector<16xf32>,
        %add3A_347 = arith.addi %mul3A_52, %and3A_306 : vector<16xi32>
        %scatter3A_348 = arith.constant 0 : i32
        %scatter3A_349 = arith.constant 0 : i32
        %scatter3A_350 = tpu.memref_slice %arg6[%select_n3A_157, %scatter3A_348, %scatter3A_349] : memref<2x64x128xf32, #tpu.memory_space<vmem>> -> memref<1x64x128xf32, #tpu.memory_space<vmem>>
        %scatter3A_351 = tpu.memref_squeeze %scatter3A_350 : memref<1x64x128xf32, #tpu.memory_space<vmem>> -> memref<64x128xf32, #tpu.memory_space<vmem>>
        tpu.vector_store_idx %scatter3A_351[%shift_right_logical3A_26, %add3A_347], %gather3A_311 : memref<64x128xf32, #tpu.memory_space<vmem>>[vector<16xi32>, vector<16xi32>], vector<16xf32>,
        %add3A_352 = arith.addi %mul3A_58, %and3A_306 : vector<16xi32>
        %scatter3A_353 = arith.constant 0 : i32
        %scatter3A_354 = arith.constant 0 : i32
        %scatter3A_355 = tpu.memref_slice %arg6[%select_n3A_157, %scatter3A_353, %scatter3A_354] : memref<2x64x128xf32, #tpu.memory_space<vmem>> -> memref<1x64x128xf32, #tpu.memory_space<vmem>>
        %scatter3A_356 = tpu.memref_squeeze %scatter3A_355 : memref<1x64x128xf32, #tpu.memory_space<vmem>> -> memref<64x128xf32, #tpu.memory_space<vmem>>
        tpu.vector_store_idx %scatter3A_356[%shift_right_logical3A_29, %add3A_352], %gather3A_316 : memref<64x128xf32, #tpu.memory_space<vmem>>[vector<16xi32>, vector<16xi32>], vector<16xf32>,
        %add3A_357 = arith.addi %mul3A_64, %and3A_306 : vector<16xi32>
        %scatter3A_358 = arith.constant 0 : i32
        %scatter3A_359 = arith.constant 0 : i32
        %scatter3A_360 = tpu.memref_slice %arg6[%select_n3A_157, %scatter3A_358, %scatter3A_359] : memref<2x64x128xf32, #tpu.memory_space<vmem>> -> memref<1x64x128xf32, #tpu.memory_space<vmem>>
        %scatter3A_361 = tpu.memref_squeeze %scatter3A_360 : memref<1x64x128xf32, #tpu.memory_space<vmem>> -> memref<64x128xf32, #tpu.memory_space<vmem>>
        tpu.vector_store_idx %scatter3A_361[%shift_right_logical3A_32, %add3A_357], %gather3A_321 : memref<64x128xf32, #tpu.memory_space<vmem>>[vector<16xi32>, vector<16xi32>], vector<16xf32>,
        %add3A_362 = arith.addi %mul3A_70, %and3A_306 : vector<16xi32>
        %scatter3A_363 = arith.constant 0 : i32
        %scatter3A_364 = arith.constant 0 : i32
        %scatter3A_365 = tpu.memref_slice %arg6[%select_n3A_157, %scatter3A_363, %scatter3A_364] : memref<2x64x128xf32, #tpu.memory_space<vmem>> -> memref<1x64x128xf32, #tpu.memory_space<vmem>>
        %scatter3A_366 = tpu.memref_squeeze %scatter3A_365 : memref<1x64x128xf32, #tpu.memory_space<vmem>> -> memref<64x128xf32, #tpu.memory_space<vmem>>
        tpu.vector_store_idx %scatter3A_366[%shift_right_logical3A_35, %add3A_362], %gather3A_326 : memref<64x128xf32, #tpu.memory_space<vmem>>[vector<16xi32>, vector<16xi32>], vector<16xf32>,
        %add3A_367 = arith.addi %mul3A_76, %and3A_306 : vector<16xi32>
        %scatter3A_368 = arith.constant 0 : i32
        %scatter3A_369 = arith.constant 0 : i32
        %scatter3A_370 = tpu.memref_slice %arg6[%select_n3A_157, %scatter3A_368, %scatter3A_369] : memref<2x64x128xf32, #tpu.memory_space<vmem>> -> memref<1x64x128xf32, #tpu.memory_space<vmem>>
        %scatter3A_371 = tpu.memref_squeeze %scatter3A_370 : memref<1x64x128xf32, #tpu.memory_space<vmem>> -> memref<64x128xf32, #tpu.memory_space<vmem>>
        tpu.vector_store_idx %scatter3A_371[%shift_right_logical3A_38, %add3A_367], %gather3A_331 : memref<64x128xf32, #tpu.memory_space<vmem>>[vector<16xi32>, vector<16xi32>], vector<16xf32>,
        %add3A_372 = arith.addi %mul3A_82, %and3A_306 : vector<16xi32>
        %scatter3A_373 = arith.constant 0 : i32
        %scatter3A_374 = arith.constant 0 : i32
        %scatter3A_375 = tpu.memref_slice %arg6[%select_n3A_157, %scatter3A_373, %scatter3A_374] : memref<2x64x128xf32, #tpu.memory_space<vmem>> -> memref<1x64x128xf32, #tpu.memory_space<vmem>>
        %scatter3A_376 = tpu.memref_squeeze %scatter3A_375 : memref<1x64x128xf32, #tpu.memory_space<vmem>> -> memref<64x128xf32, #tpu.memory_space<vmem>>
        tpu.vector_store_idx %scatter3A_376[%shift_right_logical3A_41, %add3A_372], %gather3A_336 : memref<64x128xf32, #tpu.memory_space<vmem>>[vector<16xi32>, vector<16xi32>], vector<16xf32>,
        %add3A_377 = arith.addi %mul3A_88, %and3A_306 : vector<16xi32>
        %scatter3A_378 = arith.constant 0 : i32
        %scatter3A_379 = arith.constant 0 : i32
        %scatter3A_380 = tpu.memref_slice %arg6[%select_n3A_157, %scatter3A_378, %scatter3A_379] : memref<2x64x128xf32, #tpu.memory_space<vmem>> -> memref<1x64x128xf32, #tpu.memory_space<vmem>>
        %scatter3A_381 = tpu.memref_squeeze %scatter3A_380 : memref<1x64x128xf32, #tpu.memory_space<vmem>> -> memref<64x128xf32, #tpu.memory_space<vmem>>
        tpu.vector_store_idx %scatter3A_381[%shift_right_logical3A_44, %add3A_377], %gather3A_341 : memref<64x128xf32, #tpu.memory_space<vmem>>[vector<16xi32>, vector<16xi32>], vector<16xf32>,
        %add3A_382 = arith.addi %mul3A_94, %and3A_306 : vector<16xi32>
        %scatter3A_383 = arith.constant 0 : i32
        %scatter3A_384 = arith.constant 0 : i32
        %scatter3A_385 = tpu.memref_slice %arg6[%select_n3A_157, %scatter3A_383, %scatter3A_384] : memref<2x64x128xf32, #tpu.memory_space<vmem>> -> memref<1x64x128xf32, #tpu.memory_space<vmem>>
        %scatter3A_386 = tpu.memref_squeeze %scatter3A_385 : memref<1x64x128xf32, #tpu.memory_space<vmem>> -> memref<64x128xf32, #tpu.memory_space<vmem>>
        tpu.vector_store_idx %scatter3A_386[%shift_right_logical3A_47, %add3A_382], %gather3A_346 : memref<64x128xf32, #tpu.memory_space<vmem>>[vector<16xi32>, vector<16xi32>], vector<16xf32>,
      }
      %scan3A_191 = arith.constant 32 : i32
      %mul3A_192 = arith.constant 32 : i32
      %mul3A_193 = arith.muli %while3A_142, %mul3A_192 : i32
      %add3A_194 = arith.addi %add3A, %mul3A_193 : i32
      %mul3A_195 = arith.constant 64 : i32
      %mul3A_196 = arith.muli %add3A_194, %mul3A_195 : i32
      %dma_start3A = arith.constant 0 : i32
      %dma_start3A_197 = arith.constant 0 : i32
      %dma_start3A_198 = tpu.memref_slice %arg6[%select_n3A_157, %dma_start3A, %dma_start3A_197] : memref<2x64x128xf32, #tpu.memory_space<vmem>> -> memref<1x64x128xf32, #tpu.memory_space<vmem>>
      %dma_start3A_199 = tpu.memref_squeeze %dma_start3A_198 : memref<1x64x128xf32, #tpu.memory_space<vmem>> -> memref<64x128xf32, #tpu.memory_space<vmem>>
      %dma_start3A_200 = arith.constant 0 : i32
      %dma_start3A_201 = tpu.memref_slice %arg4[%mul3A_196, %dma_start3A_200] : memref<105608x128xf32, #tpu.memory_space<hbm>> -> memref<64x128xf32, #tpu.memory_space<hbm>>
      %dma_start3A_202 = tpu.memref_slice %arg8[%select_n3A_157] : memref<2x!tpu.dma_semaphore, #tpu.memory_space<semaphore_mem>> -> memref<1x!tpu.dma_semaphore, #tpu.memory_space<semaphore_mem>>
      %dma_start3A_203 = tpu.memref_squeeze %dma_start3A_202 : memref<1x!tpu.dma_semaphore, #tpu.memory_space<semaphore_mem>> -> memref<!tpu.dma_semaphore, #tpu.memory_space<semaphore_mem>>
      %dma_start3A_204 = arith.constant 0 : i32
      %dma_start3A_205 = tpu.memref_slice %arg4[%mul3A_196, %dma_start3A_204] : memref<105608x128xf32, #tpu.memory_space<hbm>> -> memref<64x128xf32, #tpu.memory_space<hbm>>
      %dma_start3A_206 = arith.constant 0 : i32
      %dma_start3A_207 = arith.constant 0 : i32
      %dma_start3A_208 = tpu.memref_slice %arg6[%select_n3A_157, %dma_start3A_206, %dma_start3A_207] : memref<2x64x128xf32, #tpu.memory_space<vmem>> -> memref<1x64x128xf32, #tpu.memory_space<vmem>>
      %dma_start3A_209 = tpu.memref_squeeze %dma_start3A_208 : memref<1x64x128xf32, #tpu.memory_space<vmem>> -> memref<64x128xf32, #tpu.memory_space<vmem>>
      tpu.enqueue_dma source(%dma_start3A_209 : memref<64x128xf32, #tpu.memory_space<vmem>>) target(%dma_start3A_205 : memref<64x128xf32, #tpu.memory_space<hbm>>) target_semaphore(%dma_start3A_203 : memref<!tpu.dma_semaphore, #tpu.memory_space<semaphore_mem>>)
    }
    %while3A_128 = arith.constant 1 : i32
    scf.for %while3A_142 = %while3A_126 to %while3A_122 step %while3A_128  : i32 {
      %jit3A_143 = arith.constant 2 : i32
      %eq3A_144 = arith.constant 0 : i32
      %eq3A_145 = arith.cmpi eq, %jit3A_143, %eq3A_144 : i32
      %jit3A_146 = arith.constant 1 : i32
      %select_n3A_147 = arith.select %eq3A_145, %jit3A_146, %jit3A_143 : i32
      %rem3A_148 = arith.remsi %while3A_142, %select_n3A_147 : i32
      %ne3A_149 = arith.constant 0 : i32
      %ne3A_150 = arith.cmpi ne, %rem3A_148, %ne3A_149 : i32
      %lt3A = arith.constant 0 : i32
      %lt3A_151 = arith.cmpi slt, %rem3A_148, %lt3A : i32
      %lt3A_152 = arith.constant 0 : i32
      %lt3A_153 = arith.cmpi slt, %select_n3A_147, %lt3A_152 : i32
      %ne3A_154 = arith.xori %lt3A_151, %lt3A_153 : i1
      %and3A_155 = arith.andi %ne3A_154, %ne3A_150 : i1
      %add3A_156 = arith.addi %rem3A_148, %select_n3A_147 : i32
      %select_n3A_157 = arith.select %and3A_155, %add3A_156, %rem3A_148 : i32
      %ge3A_158 = arith.constant 2 : i32
      %ge3A_159 = arith.cmpi sge, %while3A_142, %ge3A_158 : i32
      %convert_element_type3A_160 = arith.extui %ge3A_159 : i1 to i32
      %cond3A_161 = arith.constant 0 : i32
      %cond3A_162 = arith.cmpi ne, %convert_element_type3A_160, %cond3A_161 : i32
      scf.if %cond3A_162 {
        %sub3A_210 = arith.constant 2 : i32
        %sub3A_211 = arith.subi %while3A_142, %sub3A_210 : i32
        %mul3A_212 = arith.constant 32 : i32
        %mul3A_213 = arith.muli %sub3A_211, %mul3A_212 : i32
        %add3A_214 = arith.addi %add3A, %mul3A_213 : i32
        %mul3A_215 = arith.constant 64 : i32
        %mul3A_216 = arith.muli %add3A_214, %mul3A_215 : i32
        %dma_wait3A_217 = arith.constant 0 : i32
        %dma_wait3A_218 = arith.constant 0 : i32
        %dma_wait3A_219 = tpu.memref_slice %arg6[%select_n3A_157, %dma_wait3A_217, %dma_wait3A_218] : memref<2x64x128xf32, #tpu.memory_space<vmem>> -> memref<1x64x128xf32, #tpu.memory_space<vmem>>
        %dma_wait3A_220 = tpu.memref_squeeze %dma_wait3A_219 : memref<1x64x128xf32, #tpu.memory_space<vmem>> -> memref<64x128xf32, #tpu.memory_space<vmem>>
        %dma_wait3A_221 = arith.constant 0 : i32
        %dma_wait3A_222 = tpu.memref_slice %arg4[%mul3A_216, %dma_wait3A_221] : memref<105608x128xf32, #tpu.memory_space<hbm>> -> memref<64x128xf32, #tpu.memory_space<hbm>>
        %dma_wait3A_223 = tpu.memref_slice %arg8[%select_n3A_157] : memref<2x!tpu.dma_semaphore, #tpu.memory_space<semaphore_mem>> -> memref<1x!tpu.dma_semaphore, #tpu.memory_space<semaphore_mem>>
        %dma_wait3A_224 = tpu.memref_squeeze %dma_wait3A_223 : memref<1x!tpu.dma_semaphore, #tpu.memory_space<semaphore_mem>> -> memref<!tpu.dma_semaphore, #tpu.memory_space<semaphore_mem>>
        %dma_wait3A_225 = arith.constant 0 : i32
        %dma_wait3A_226 = tpu.memref_slice %arg4[%mul3A_216, %dma_wait3A_225] : memref<105608x128xf32, #tpu.memory_space<hbm>> -> memref<64x128xf32, #tpu.memory_space<hbm>>
        %dma_wait3A_227 = arith.constant 0 : i32
        %dma_wait3A_228 = arith.constant 0 : i32
        %dma_wait3A_229 = tpu.memref_slice %arg6[%select_n3A_157, %dma_wait3A_227, %dma_wait3A_228] : memref<2x64x128xf32, #tpu.memory_space<vmem>> -> memref<1x64x128xf32, #tpu.memory_space<vmem>>
        %dma_wait3A_230 = tpu.memref_squeeze %dma_wait3A_229 : memref<1x64x128xf32, #tpu.memory_space<vmem>> -> memref<64x128xf32, #tpu.memory_space<vmem>>
        tpu.wait_dma2 semaphore(%dma_wait3A_224 : memref<!tpu.dma_semaphore, #tpu.memory_space<semaphore_mem>>) src(%dma_wait3A_230 : memref<64x128xf32, #tpu.memory_space<vmem>>) dst(%dma_wait3A_226 : memref<64x128xf32, #tpu.memory_space<hbm>>)
      } else {
      }
      %add3A_163 = arith.constant 1 : i32
      %add3A_164 = arith.addi %while3A_142, %add3A_163 : i32
      %lt3A_165 = arith.cmpi slt, %add3A_164, %select_n3A : i32
      %convert_element_type3A_166 = arith.extui %lt3A_165 : i1 to i32
      %cond3A_167 = arith.constant 0 : i32
      %cond3A_168 = arith.cmpi ne, %convert_element_type3A_166, %cond3A_167 : i32
      scf.if %cond3A_168 {
        %add3A_210 = arith.constant 1 : i32
        %add3A_211 = arith.addi %while3A_142, %add3A_210 : i32
        %add3A_212 = arith.constant 1 : i32
        %add3A_213 = arith.addi %while3A_142, %add3A_212 : i32
        %jit3A_214 = arith.constant 2 : i32
        %eq3A_215 = arith.constant 0 : i32
        %eq3A_216 = arith.cmpi eq, %jit3A_214, %eq3A_215 : i32
        %jit3A_217 = arith.constant 1 : i32
        %select_n3A_218 = arith.select %eq3A_216, %jit3A_217, %jit3A_214 : i32
        %rem3A_219 = arith.remsi %add3A_213, %select_n3A_218 : i32
        %ne3A_220 = arith.constant 0 : i32
        %ne3A_221 = arith.cmpi ne, %rem3A_219, %ne3A_220 : i32
        %lt3A_222 = arith.constant 0 : i32
        %lt3A_223 = arith.cmpi slt, %rem3A_219, %lt3A_222 : i32
        %lt3A_224 = arith.constant 0 : i32
        %lt3A_225 = arith.cmpi slt, %select_n3A_218, %lt3A_224 : i32
        %ne3A_226 = arith.xori %lt3A_223, %lt3A_225 : i1
        %and3A_227 = arith.andi %ne3A_226, %ne3A_221 : i1
        %add3A_228 = arith.addi %rem3A_219, %select_n3A_218 : i32
        %select_n3A_229 = arith.select %and3A_227, %add3A_228, %rem3A_219 : i32
        %mul3A_230 = arith.constant 32 : i32
        %mul3A_231 = arith.muli %add3A_211, %mul3A_230 : i32
        %add3A_232 = arith.addi %add3A, %mul3A_231 : i32
        %mul3A_233 = arith.constant 128 : i32
        %mul3A_234 = arith.muli %add3A_232, %mul3A_233 : i32
        %dma_start3A_235 = arith.constant 0 : i32
        %dma_start3A_236 = arith.constant 0 : i32
        %dma_start3A_237 = tpu.memref_slice %arg5[%select_n3A_229, %dma_start3A_235, %dma_start3A_236] : memref<2x64x128xf32, #tpu.memory_space<vmem>> -> memref<1x64x128xf32, #tpu.memory_space<vmem>>
        %dma_start3A_238 = tpu.memref_squeeze %dma_start3A_237 : memref<1x64x128xf32, #tpu.memory_space<vmem>> -> memref<64x128xf32, #tpu.memory_space<vmem>>
        %dma_start3A_239 = arith.constant 0 : i32
        %dma_start3A_240 = tpu.memref_slice %arg2[%dma_start3A_239, %mul3A_234] : memref<64x211201xf32, #tpu.memory_space<hbm>> -> memref<64x128xf32, #tpu.memory_space<hbm>>
        %dma_start3A_241 = tpu.memref_slice %arg7[%select_n3A_229] : memref<2x!tpu.dma_semaphore, #tpu.memory_space<semaphore_mem>> -> memref<1x!tpu.dma_semaphore, #tpu.memory_space<semaphore_mem>>
        %dma_start3A_242 = tpu.memref_squeeze %dma_start3A_241 : memref<1x!tpu.dma_semaphore, #tpu.memory_space<semaphore_mem>> -> memref<!tpu.dma_semaphore, #tpu.memory_space<semaphore_mem>>
        %dma_start3A_243 = arith.constant 0 : i32
        %dma_start3A_244 = arith.constant 0 : i32
        %dma_start3A_245 = tpu.memref_slice %arg5[%select_n3A_229, %dma_start3A_243, %dma_start3A_244] : memref<2x64x128xf32, #tpu.memory_space<vmem>> -> memref<1x64x128xf32, #tpu.memory_space<vmem>>
        %dma_start3A_246 = tpu.memref_squeeze %dma_start3A_245 : memref<1x64x128xf32, #tpu.memory_space<vmem>> -> memref<64x128xf32, #tpu.memory_space<vmem>>
        %dma_start3A_247 = arith.constant 0 : i32
        %dma_start3A_248 = tpu.memref_slice %arg2[%dma_start3A_247, %mul3A_234] : memref<64x211201xf32, #tpu.memory_space<hbm>> -> memref<64x128xf32, #tpu.memory_space<hbm>>
        tpu.enqueue_dma source(%dma_start3A_248 : memref<64x128xf32, #tpu.memory_space<hbm>>) target(%dma_start3A_246 : memref<64x128xf32, #tpu.memory_space<vmem>>) target_semaphore(%dma_start3A_242 : memref<!tpu.dma_semaphore, #tpu.memory_space<semaphore_mem>>)
      } else {
      }
      %mul3A_169 = arith.constant 32 : i32
      %mul3A_170 = arith.muli %while3A_142, %mul3A_169 : i32
      %add3A_171 = arith.addi %add3A, %mul3A_170 : i32
      %mul3A_172 = arith.constant 128 : i32
      %mul3A_173 = arith.muli %add3A_171, %mul3A_172 : i32
      %dma_wait3A = arith.constant 0 : i32
      %dma_wait3A_174 = arith.constant 0 : i32
      %dma_wait3A_175 = tpu.memref_slice %arg5[%select_n3A_157, %dma_wait3A, %dma_wait3A_174] : memref<2x64x128xf32, #tpu.memory_space<vmem>> -> memref<1x64x128xf32, #tpu.memory_space<vmem>>
      %dma_wait3A_176 = tpu.memref_squeeze %dma_wait3A_175 : memref<1x64x128xf32, #tpu.memory_space<vmem>> -> memref<64x128xf32, #tpu.memory_space<vmem>>
      %dma_wait3A_177 = arith.constant 0 : i32
      %dma_wait3A_178 = tpu.memref_slice %arg2[%dma_wait3A_177, %mul3A_173] : memref<64x211201xf32, #tpu.memory_space<hbm>> -> memref<64x128xf32, #tpu.memory_space<hbm>>
      %dma_wait3A_179 = tpu.memref_slice %arg7[%select_n3A_157] : memref<2x!tpu.dma_semaphore, #tpu.memory_space<semaphore_mem>> -> memref<1x!tpu.dma_semaphore, #tpu.memory_space<semaphore_mem>>
      %dma_wait3A_180 = tpu.memref_squeeze %dma_wait3A_179 : memref<1x!tpu.dma_semaphore, #tpu.memory_space<semaphore_mem>> -> memref<!tpu.dma_semaphore, #tpu.memory_space<semaphore_mem>>
      %dma_wait3A_181 = arith.constant 0 : i32
      %dma_wait3A_182 = arith.constant 0 : i32
      %dma_wait3A_183 = tpu.memref_slice %arg5[%select_n3A_157, %dma_wait3A_181, %dma_wait3A_182] : memref<2x64x128xf32, #tpu.memory_space<vmem>> -> memref<1x64x128xf32, #tpu.memory_space<vmem>>
      %dma_wait3A_184 = tpu.memref_squeeze %dma_wait3A_183 : memref<1x64x128xf32, #tpu.memory_space<vmem>> -> memref<64x128xf32, #tpu.memory_space<vmem>>
      %dma_wait3A_185 = arith.constant 0 : i32
      %dma_wait3A_186 = tpu.memref_slice %arg2[%dma_wait3A_185, %mul3A_173] : memref<64x211201xf32, #tpu.memory_space<hbm>> -> memref<64x128xf32, #tpu.memory_space<hbm>>
      tpu.wait_dma2 semaphore(%dma_wait3A_180 : memref<!tpu.dma_semaphore, #tpu.memory_space<semaphore_mem>>) src(%dma_wait3A_186 : memref<64x128xf32, #tpu.memory_space<hbm>>) dst(%dma_wait3A_184 : memref<64x128xf32, #tpu.memory_space<vmem>>)
      %scan3A = arith.constant 0 : i32
      %scan3A_187 = arith.constant 0 : i32
      %scan3A_188 = arith.constant 32 : i32
      %scan3A_189 = arith.addi %scan3A_187, %scan3A_188 : i32
      %scan3A_190 = arith.constant 1 : i32
      scf.for %scan3A_210 = %scan3A_187 to %scan3A_189 step %scan3A_190  : i32 {
        %mul3A_211 = arith.constant 2 : i32
        %mul3A_212 = arith.muli %scan3A_210, %mul3A_211 : i32
        %add3A_213 = arith.constant 0 : i32
        %add3A_214 = arith.addi %mul3A_212, %add3A_213 : i32
        %add3A_215 = vector.broadcast %add3A_214 : i32 to vector<16xi32>
        %add3A_216 = arith.addi %iota3A, %add3A_215 : vector<16xi32>
        %and3A_217 = arith.constant 63 : i32
        %and3A_218 = vector.broadcast %and3A_217 : i32 to vector<16xi32>
        %and3A_219 = arith.andi %add3A_216, %and3A_218 : vector<16xi32>
        %gather3A = arith.constant 0 : i32
        %gather3A_220 = arith.constant 0 : i32
        %gather3A_221 = tpu.memref_slice %arg5[%select_n3A_157, %gather3A, %gather3A_220] : memref<2x64x128xf32, #tpu.memory_space<vmem>> -> memref<1x64x128xf32, #tpu.memory_space<vmem>>
        %gather3A_222 = tpu.memref_squeeze %gather3A_221 : memref<1x64x128xf32, #tpu.memory_space<vmem>> -> memref<64x128xf32, #tpu.memory_space<vmem>>
        %gather3A_223 = tpu.vector_load_idx %gather3A_222[%and3A_219, %add3A_3] : memref<64x128xf32, #tpu.memory_space<vmem>>[vector<16xi32>, vector<16xi32>], vector<16xf32>,
        %gather3A_224 = arith.constant 0 : i32
        %gather3A_225 = arith.constant 0 : i32
        %gather3A_226 = tpu.memref_slice %arg5[%select_n3A_157, %gather3A_224, %gather3A_225] : memref<2x64x128xf32, #tpu.memory_space<vmem>> -> memref<1x64x128xf32, #tpu.memory_space<vmem>>
        %gather3A_227 = tpu.memref_squeeze %gather3A_226 : memref<1x64x128xf32, #tpu.memory_space<vmem>> -> memref<64x128xf32, #tpu.memory_space<vmem>>
        %gather3A_228 = tpu.vector_load_idx %gather3A_227[%and3A_219, %add3A_6] : memref<64x128xf32, #tpu.memory_space<vmem>>[vector<16xi32>, vector<16xi32>], vector<16xf32>,
        %gather3A_229 = arith.constant 0 : i32
        %gather3A_230 = arith.constant 0 : i32
        %gather3A_231 = tpu.memref_slice %arg5[%select_n3A_157, %gather3A_229, %gather3A_230] : memref<2x64x128xf32, #tpu.memory_space<vmem>> -> memref<1x64x128xf32, #tpu.memory_space<vmem>>
        %gather3A_232 = tpu.memref_squeeze %gather3A_231 : memref<1x64x128xf32, #tpu.memory_space<vmem>> -> memref<64x128xf32, #tpu.memory_space<vmem>>
        %gather3A_233 = tpu.vector_load_idx %gather3A_232[%and3A_219, %add3A_9] : memref<64x128xf32, #tpu.memory_space<vmem>>[vector<16xi32>, vector<16xi32>], vector<16xf32>,
        %gather3A_234 = arith.constant 0 : i32
        %gather3A_235 = arith.constant 0 : i32
        %gather3A_236 = tpu.memref_slice %arg5[%select_n3A_157, %gather3A_234, %gather3A_235] : memref<2x64x128xf32, #tpu.memory_space<vmem>> -> memref<1x64x128xf32, #tpu.memory_space<vmem>>
        %gather3A_237 = tpu.memref_squeeze %gather3A_236 : memref<1x64x128xf32, #tpu.memory_space<vmem>> -> memref<64x128xf32, #tpu.memory_space<vmem>>
        %gather3A_238 = tpu.vector_load_idx %gather3A_237[%and3A_219, %add3A_12] : memref<64x128xf32, #tpu.memory_space<vmem>>[vector<16xi32>, vector<16xi32>], vector<16xf32>,
        %gather3A_239 = arith.constant 0 : i32
        %gather3A_240 = arith.constant 0 : i32
        %gather3A_241 = tpu.memref_slice %arg5[%select_n3A_157, %gather3A_239, %gather3A_240] : memref<2x64x128xf32, #tpu.memory_space<vmem>> -> memref<1x64x128xf32, #tpu.memory_space<vmem>>
        %gather3A_242 = tpu.memref_squeeze %gather3A_241 : memref<1x64x128xf32, #tpu.memory_space<vmem>> -> memref<64x128xf32, #tpu.memory_space<vmem>>
        %gather3A_243 = tpu.vector_load_idx %gather3A_242[%and3A_219, %add3A_15] : memref<64x128xf32, #tpu.memory_space<vmem>>[vector<16xi32>, vector<16xi32>], vector<16xf32>,
        %gather3A_244 = arith.constant 0 : i32
        %gather3A_245 = arith.constant 0 : i32
        %gather3A_246 = tpu.memref_slice %arg5[%select_n3A_157, %gather3A_244, %gather3A_245] : memref<2x64x128xf32, #tpu.memory_space<vmem>> -> memref<1x64x128xf32, #tpu.memory_space<vmem>>
        %gather3A_247 = tpu.memref_squeeze %gather3A_246 : memref<1x64x128xf32, #tpu.memory_space<vmem>> -> memref<64x128xf32, #tpu.memory_space<vmem>>
        %gather3A_248 = tpu.vector_load_idx %gather3A_247[%and3A_219, %add3A_18] : memref<64x128xf32, #tpu.memory_space<vmem>>[vector<16xi32>, vector<16xi32>], vector<16xf32>,
        %gather3A_249 = arith.constant 0 : i32
        %gather3A_250 = arith.constant 0 : i32
        %gather3A_251 = tpu.memref_slice %arg5[%select_n3A_157, %gather3A_249, %gather3A_250] : memref<2x64x128xf32, #tpu.memory_space<vmem>> -> memref<1x64x128xf32, #tpu.memory_space<vmem>>
        %gather3A_252 = tpu.memref_squeeze %gather3A_251 : memref<1x64x128xf32, #tpu.memory_space<vmem>> -> memref<64x128xf32, #tpu.memory_space<vmem>>
        %gather3A_253 = tpu.vector_load_idx %gather3A_252[%and3A_219, %add3A_21] : memref<64x128xf32, #tpu.memory_space<vmem>>[vector<16xi32>, vector<16xi32>], vector<16xf32>,
        %gather3A_254 = arith.constant 0 : i32
        %gather3A_255 = arith.constant 0 : i32
        %gather3A_256 = tpu.memref_slice %arg5[%select_n3A_157, %gather3A_254, %gather3A_255] : memref<2x64x128xf32, #tpu.memory_space<vmem>> -> memref<1x64x128xf32, #tpu.memory_space<vmem>>
        %gather3A_257 = tpu.memref_squeeze %gather3A_256 : memref<1x64x128xf32, #tpu.memory_space<vmem>> -> memref<64x128xf32, #tpu.memory_space<vmem>>
        %gather3A_258 = tpu.vector_load_idx %gather3A_257[%and3A_219, %add3A_24] : memref<64x128xf32, #tpu.memory_space<vmem>>[vector<16xi32>, vector<16xi32>], vector<16xf32>,
        %add3A_259 = arith.addi %mul3A_52, %and3A_219 : vector<16xi32>
        %scatter3A = arith.constant 0 : i32
        %scatter3A_260 = arith.constant 0 : i32
        %scatter3A_261 = tpu.memref_slice %arg6[%select_n3A_157, %scatter3A, %scatter3A_260] : memref<2x64x128xf32, #tpu.memory_space<vmem>> -> memref<1x64x128xf32, #tpu.memory_space<vmem>>
        %scatter3A_262 = tpu.memref_squeeze %scatter3A_261 : memref<1x64x128xf32, #tpu.memory_space<vmem>> -> memref<64x128xf32, #tpu.memory_space<vmem>>
        tpu.vector_store_idx %scatter3A_262[%shift_right_logical3A_26, %add3A_259], %gather3A_223 : memref<64x128xf32, #tpu.memory_space<vmem>>[vector<16xi32>, vector<16xi32>], vector<16xf32>,
        %add3A_263 = arith.addi %mul3A_58, %and3A_219 : vector<16xi32>
        %scatter3A_264 = arith.constant 0 : i32
        %scatter3A_265 = arith.constant 0 : i32
        %scatter3A_266 = tpu.memref_slice %arg6[%select_n3A_157, %scatter3A_264, %scatter3A_265] : memref<2x64x128xf32, #tpu.memory_space<vmem>> -> memref<1x64x128xf32, #tpu.memory_space<vmem>>
        %scatter3A_267 = tpu.memref_squeeze %scatter3A_266 : memref<1x64x128xf32, #tpu.memory_space<vmem>> -> memref<64x128xf32, #tpu.memory_space<vmem>>
        tpu.vector_store_idx %scatter3A_267[%shift_right_logical3A_29, %add3A_263], %gather3A_228 : memref<64x128xf32, #tpu.memory_space<vmem>>[vector<16xi32>, vector<16xi32>], vector<16xf32>,
        %add3A_268 = arith.addi %mul3A_64, %and3A_219 : vector<16xi32>
        %scatter3A_269 = arith.constant 0 : i32
        %scatter3A_270 = arith.constant 0 : i32
        %scatter3A_271 = tpu.memref_slice %arg6[%select_n3A_157, %scatter3A_269, %scatter3A_270] : memref<2x64x128xf32, #tpu.memory_space<vmem>> -> memref<1x64x128xf32, #tpu.memory_space<vmem>>
        %scatter3A_272 = tpu.memref_squeeze %scatter3A_271 : memref<1x64x128xf32, #tpu.memory_space<vmem>> -> memref<64x128xf32, #tpu.memory_space<vmem>>
        tpu.vector_store_idx %scatter3A_272[%shift_right_logical3A_32, %add3A_268], %gather3A_233 : memref<64x128xf32, #tpu.memory_space<vmem>>[vector<16xi32>, vector<16xi32>], vector<16xf32>,
        %add3A_273 = arith.addi %mul3A_70, %and3A_219 : vector<16xi32>
        %scatter3A_274 = arith.constant 0 : i32
        %scatter3A_275 = arith.constant 0 : i32
        %scatter3A_276 = tpu.memref_slice %arg6[%select_n3A_157, %scatter3A_274, %scatter3A_275] : memref<2x64x128xf32, #tpu.memory_space<vmem>> -> memref<1x64x128xf32, #tpu.memory_space<vmem>>
        %scatter3A_277 = tpu.memref_squeeze %scatter3A_276 : memref<1x64x128xf32, #tpu.memory_space<vmem>> -> memref<64x128xf32, #tpu.memory_space<vmem>>
        tpu.vector_store_idx %scatter3A_277[%shift_right_logical3A_35, %add3A_273], %gather3A_238 : memref<64x128xf32, #tpu.memory_space<vmem>>[vector<16xi32>, vector<16xi32>], vector<16xf32>,
        %add3A_278 = arith.addi %mul3A_76, %and3A_219 : vector<16xi32>
        %scatter3A_279 = arith.constant 0 : i32
        %scatter3A_280 = arith.constant 0 : i32
        %scatter3A_281 = tpu.memref_slice %arg6[%select_n3A_157, %scatter3A_279, %scatter3A_280] : memref<2x64x128xf32, #tpu.memory_space<vmem>> -> memref<1x64x128xf32, #tpu.memory_space<vmem>>
        %scatter3A_282 = tpu.memref_squeeze %scatter3A_281 : memref<1x64x128xf32, #tpu.memory_space<vmem>> -> memref<64x128xf32, #tpu.memory_space<vmem>>
        tpu.vector_store_idx %scatter3A_282[%shift_right_logical3A_38, %add3A_278], %gather3A_243 : memref<64x128xf32, #tpu.memory_space<vmem>>[vector<16xi32>, vector<16xi32>], vector<16xf32>,
        %add3A_283 = arith.addi %mul3A_82, %and3A_219 : vector<16xi32>
        %scatter3A_284 = arith.constant 0 : i32
        %scatter3A_285 = arith.constant 0 : i32
        %scatter3A_286 = tpu.memref_slice %arg6[%select_n3A_157, %scatter3A_284, %scatter3A_285] : memref<2x64x128xf32, #tpu.memory_space<vmem>> -> memref<1x64x128xf32, #tpu.memory_space<vmem>>
        %scatter3A_287 = tpu.memref_squeeze %scatter3A_286 : memref<1x64x128xf32, #tpu.memory_space<vmem>> -> memref<64x128xf32, #tpu.memory_space<vmem>>
        tpu.vector_store_idx %scatter3A_287[%shift_right_logical3A_41, %add3A_283], %gather3A_248 : memref<64x128xf32, #tpu.memory_space<vmem>>[vector<16xi32>, vector<16xi32>], vector<16xf32>,
        %add3A_288 = arith.addi %mul3A_88, %and3A_219 : vector<16xi32>
        %scatter3A_289 = arith.constant 0 : i32
        %scatter3A_290 = arith.constant 0 : i32
        %scatter3A_291 = tpu.memref_slice %arg6[%select_n3A_157, %scatter3A_289, %scatter3A_290] : memref<2x64x128xf32, #tpu.memory_space<vmem>> -> memref<1x64x128xf32, #tpu.memory_space<vmem>>
        %scatter3A_292 = tpu.memref_squeeze %scatter3A_291 : memref<1x64x128xf32, #tpu.memory_space<vmem>> -> memref<64x128xf32, #tpu.memory_space<vmem>>
        tpu.vector_store_idx %scatter3A_292[%shift_right_logical3A_44, %add3A_288], %gather3A_253 : memref<64x128xf32, #tpu.memory_space<vmem>>[vector<16xi32>, vector<16xi32>], vector<16xf32>,
        %add3A_293 = arith.addi %mul3A_94, %and3A_219 : vector<16xi32>
        %scatter3A_294 = arith.constant 0 : i32
        %scatter3A_295 = arith.constant 0 : i32
        %scatter3A_296 = tpu.memref_slice %arg6[%select_n3A_157, %scatter3A_294, %scatter3A_295] : memref<2x64x128xf32, #tpu.memory_space<vmem>> -> memref<1x64x128xf32, #tpu.memory_space<vmem>>
        %scatter3A_297 = tpu.memref_squeeze %scatter3A_296 : memref<1x64x128xf32, #tpu.memory_space<vmem>> -> memref<64x128xf32, #tpu.memory_space<vmem>>
        tpu.vector_store_idx %scatter3A_297[%shift_right_logical3A_47, %add3A_293], %gather3A_258 : memref<64x128xf32, #tpu.memory_space<vmem>>[vector<16xi32>, vector<16xi32>], vector<16xf32>,
        %mul3A_298 = arith.constant 2 : i32
        %mul3A_299 = arith.muli %scan3A_210, %mul3A_298 : i32
        %add3A_300 = arith.constant 1 : i32
        %add3A_301 = arith.addi %mul3A_299, %add3A_300 : i32
        %add3A_302 = vector.broadcast %add3A_301 : i32 to vector<16xi32>
        %add3A_303 = arith.addi %iota3A, %add3A_302 : vector<16xi32>
        %and3A_304 = arith.constant 63 : i32
        %and3A_305 = vector.broadcast %and3A_304 : i32 to vector<16xi32>
        %and3A_306 = arith.andi %add3A_303, %and3A_305 : vector<16xi32>
        %gather3A_307 = arith.constant 0 : i32
        %gather3A_308 = arith.constant 0 : i32
        %gather3A_309 = tpu.memref_slice %arg5[%select_n3A_157, %gather3A_307, %gather3A_308] : memref<2x64x128xf32, #tpu.memory_space<vmem>> -> memref<1x64x128xf32, #tpu.memory_space<vmem>>
        %gather3A_310 = tpu.memref_squeeze %gather3A_309 : memref<1x64x128xf32, #tpu.memory_space<vmem>> -> memref<64x128xf32, #tpu.memory_space<vmem>>
        %gather3A_311 = tpu.vector_load_idx %gather3A_310[%and3A_306, %add3A_3] : memref<64x128xf32, #tpu.memory_space<vmem>>[vector<16xi32>, vector<16xi32>], vector<16xf32>,
        %gather3A_312 = arith.constant 0 : i32
        %gather3A_313 = arith.constant 0 : i32
        %gather3A_314 = tpu.memref_slice %arg5[%select_n3A_157, %gather3A_312, %gather3A_313] : memref<2x64x128xf32, #tpu.memory_space<vmem>> -> memref<1x64x128xf32, #tpu.memory_space<vmem>>
        %gather3A_315 = tpu.memref_squeeze %gather3A_314 : memref<1x64x128xf32, #tpu.memory_space<vmem>> -> memref<64x128xf32, #tpu.memory_space<vmem>>
        %gather3A_316 = tpu.vector_load_idx %gather3A_315[%and3A_306, %add3A_6] : memref<64x128xf32, #tpu.memory_space<vmem>>[vector<16xi32>, vector<16xi32>], vector<16xf32>,
        %gather3A_317 = arith.constant 0 : i32
        %gather3A_318 = arith.constant 0 : i32
        %gather3A_319 = tpu.memref_slice %arg5[%select_n3A_157, %gather3A_317, %gather3A_318] : memref<2x64x128xf32, #tpu.memory_space<vmem>> -> memref<1x64x128xf32, #tpu.memory_space<vmem>>
        %gather3A_320 = tpu.memref_squeeze %gather3A_319 : memref<1x64x128xf32, #tpu.memory_space<vmem>> -> memref<64x128xf32, #tpu.memory_space<vmem>>
        %gather3A_321 = tpu.vector_load_idx %gather3A_320[%and3A_306, %add3A_9] : memref<64x128xf32, #tpu.memory_space<vmem>>[vector<16xi32>, vector<16xi32>], vector<16xf32>,
        %gather3A_322 = arith.constant 0 : i32
        %gather3A_323 = arith.constant 0 : i32
        %gather3A_324 = tpu.memref_slice %arg5[%select_n3A_157, %gather3A_322, %gather3A_323] : memref<2x64x128xf32, #tpu.memory_space<vmem>> -> memref<1x64x128xf32, #tpu.memory_space<vmem>>
        %gather3A_325 = tpu.memref_squeeze %gather3A_324 : memref<1x64x128xf32, #tpu.memory_space<vmem>> -> memref<64x128xf32, #tpu.memory_space<vmem>>
        %gather3A_326 = tpu.vector_load_idx %gather3A_325[%and3A_306, %add3A_12] : memref<64x128xf32, #tpu.memory_space<vmem>>[vector<16xi32>, vector<16xi32>], vector<16xf32>,
        %gather3A_327 = arith.constant 0 : i32
        %gather3A_328 = arith.constant 0 : i32
        %gather3A_329 = tpu.memref_slice %arg5[%select_n3A_157, %gather3A_327, %gather3A_328] : memref<2x64x128xf32, #tpu.memory_space<vmem>> -> memref<1x64x128xf32, #tpu.memory_space<vmem>>
        %gather3A_330 = tpu.memref_squeeze %gather3A_329 : memref<1x64x128xf32, #tpu.memory_space<vmem>> -> memref<64x128xf32, #tpu.memory_space<vmem>>
        %gather3A_331 = tpu.vector_load_idx %gather3A_330[%and3A_306, %add3A_15] : memref<64x128xf32, #tpu.memory_space<vmem>>[vector<16xi32>, vector<16xi32>], vector<16xf32>,
        %gather3A_332 = arith.constant 0 : i32
        %gather3A_333 = arith.constant 0 : i32
        %gather3A_334 = tpu.memref_slice %arg5[%select_n3A_157, %gather3A_332, %gather3A_333] : memref<2x64x128xf32, #tpu.memory_space<vmem>> -> memref<1x64x128xf32, #tpu.memory_space<vmem>>
        %gather3A_335 = tpu.memref_squeeze %gather3A_334 : memref<1x64x128xf32, #tpu.memory_space<vmem>> -> memref<64x128xf32, #tpu.memory_space<vmem>>
        %gather3A_336 = tpu.vector_load_idx %gather3A_335[%and3A_306, %add3A_18] : memref<64x128xf32, #tpu.memory_space<vmem>>[vector<16xi32>, vector<16xi32>], vector<16xf32>,
        %gather3A_337 = arith.constant 0 : i32
        %gather3A_338 = arith.constant 0 : i32
        %gather3A_339 = tpu.memref_slice %arg5[%select_n3A_157, %gather3A_337, %gather3A_338] : memref<2x64x128xf32, #tpu.memory_space<vmem>> -> memref<1x64x128xf32, #tpu.memory_space<vmem>>
        %gather3A_340 = tpu.memref_squeeze %gather3A_339 : memref<1x64x128xf32, #tpu.memory_space<vmem>> -> memref<64x128xf32, #tpu.memory_space<vmem>>
        %gather3A_341 = tpu.vector_load_idx %gather3A_340[%and3A_306, %add3A_21] : memref<64x128xf32, #tpu.memory_space<vmem>>[vector<16xi32>, vector<16xi32>], vector<16xf32>,
        %gather3A_342 = arith.constant 0 : i32
        %gather3A_343 = arith.constant 0 : i32
        %gather3A_344 = tpu.memref_slice %arg5[%select_n3A_157, %gather3A_342, %gather3A_343] : memref<2x64x128xf32, #tpu.memory_space<vmem>> -> memref<1x64x128xf32, #tpu.memory_space<vmem>>
        %gather3A_345 = tpu.memref_squeeze %gather3A_344 : memref<1x64x128xf32, #tpu.memory_space<vmem>> -> memref<64x128xf32, #tpu.memory_space<vmem>>
        %gather3A_346 = tpu.vector_load_idx %gather3A_345[%and3A_306, %add3A_24] : memref<64x128xf32, #tpu.memory_space<vmem>>[vector<16xi32>, vector<16xi32>], vector<16xf32>,
        %add3A_347 = arith.addi %mul3A_52, %and3A_306 : vector<16xi32>
        %scatter3A_348 = arith.constant 0 : i32
        %scatter3A_349 = arith.constant 0 : i32
        %scatter3A_350 = tpu.memref_slice %arg6[%select_n3A_157, %scatter3A_348, %scatter3A_349] : memref<2x64x128xf32, #tpu.memory_space<vmem>> -> memref<1x64x128xf32, #tpu.memory_space<vmem>>
        %scatter3A_351 = tpu.memref_squeeze %scatter3A_350 : memref<1x64x128xf32, #tpu.memory_space<vmem>> -> memref<64x128xf32, #tpu.memory_space<vmem>>
        tpu.vector_store_idx %scatter3A_351[%shift_right_logical3A_26, %add3A_347], %gather3A_311 : memref<64x128xf32, #tpu.memory_space<vmem>>[vector<16xi32>, vector<16xi32>], vector<16xf32>,
        %add3A_352 = arith.addi %mul3A_58, %and3A_306 : vector<16xi32>
        %scatter3A_353 = arith.constant 0 : i32
        %scatter3A_354 = arith.constant 0 : i32
        %scatter3A_355 = tpu.memref_slice %arg6[%select_n3A_157, %scatter3A_353, %scatter3A_354] : memref<2x64x128xf32, #tpu.memory_space<vmem>> -> memref<1x64x128xf32, #tpu.memory_space<vmem>>
        %scatter3A_356 = tpu.memref_squeeze %scatter3A_355 : memref<1x64x128xf32, #tpu.memory_space<vmem>> -> memref<64x128xf32, #tpu.memory_space<vmem>>
        tpu.vector_store_idx %scatter3A_356[%shift_right_logical3A_29, %add3A_352], %gather3A_316 : memref<64x128xf32, #tpu.memory_space<vmem>>[vector<16xi32>, vector<16xi32>], vector<16xf32>,
        %add3A_357 = arith.addi %mul3A_64, %and3A_306 : vector<16xi32>
        %scatter3A_358 = arith.constant 0 : i32
        %scatter3A_359 = arith.constant 0 : i32
        %scatter3A_360 = tpu.memref_slice %arg6[%select_n3A_157, %scatter3A_358, %scatter3A_359] : memref<2x64x128xf32, #tpu.memory_space<vmem>> -> memref<1x64x128xf32, #tpu.memory_space<vmem>>
        %scatter3A_361 = tpu.memref_squeeze %scatter3A_360 : memref<1x64x128xf32, #tpu.memory_space<vmem>> -> memref<64x128xf32, #tpu.memory_space<vmem>>
        tpu.vector_store_idx %scatter3A_361[%shift_right_logical3A_32, %add3A_357], %gather3A_321 : memref<64x128xf32, #tpu.memory_space<vmem>>[vector<16xi32>, vector<16xi32>], vector<16xf32>,
        %add3A_362 = arith.addi %mul3A_70, %and3A_306 : vector<16xi32>
        %scatter3A_363 = arith.constant 0 : i32
        %scatter3A_364 = arith.constant 0 : i32
        %scatter3A_365 = tpu.memref_slice %arg6[%select_n3A_157, %scatter3A_363, %scatter3A_364] : memref<2x64x128xf32, #tpu.memory_space<vmem>> -> memref<1x64x128xf32, #tpu.memory_space<vmem>>
        %scatter3A_366 = tpu.memref_squeeze %scatter3A_365 : memref<1x64x128xf32, #tpu.memory_space<vmem>> -> memref<64x128xf32, #tpu.memory_space<vmem>>
        tpu.vector_store_idx %scatter3A_366[%shift_right_logical3A_35, %add3A_362], %gather3A_326 : memref<64x128xf32, #tpu.memory_space<vmem>>[vector<16xi32>, vector<16xi32>], vector<16xf32>,
        %add3A_367 = arith.addi %mul3A_76, %and3A_306 : vector<16xi32>
        %scatter3A_368 = arith.constant 0 : i32
        %scatter3A_369 = arith.constant 0 : i32
        %scatter3A_370 = tpu.memref_slice %arg6[%select_n3A_157, %scatter3A_368, %scatter3A_369] : memref<2x64x128xf32, #tpu.memory_space<vmem>> -> memref<1x64x128xf32, #tpu.memory_space<vmem>>
        %scatter3A_371 = tpu.memref_squeeze %scatter3A_370 : memref<1x64x128xf32, #tpu.memory_space<vmem>> -> memref<64x128xf32, #tpu.memory_space<vmem>>
        tpu.vector_store_idx %scatter3A_371[%shift_right_logical3A_38, %add3A_367], %gather3A_331 : memref<64x128xf32, #tpu.memory_space<vmem>>[vector<16xi32>, vector<16xi32>], vector<16xf32>,
        %add3A_372 = arith.addi %mul3A_82, %and3A_306 : vector<16xi32>
        %scatter3A_373 = arith.constant 0 : i32
        %scatter3A_374 = arith.constant 0 : i32
        %scatter3A_375 = tpu.memref_slice %arg6[%select_n3A_157, %scatter3A_373, %scatter3A_374] : memref<2x64x128xf32, #tpu.memory_space<vmem>> -> memref<1x64x128xf32, #tpu.memory_space<vmem>>
        %scatter3A_376 = tpu.memref_squeeze %scatter3A_375 : memref<1x64x128xf32, #tpu.memory_space<vmem>> -> memref<64x128xf32, #tpu.memory_space<vmem>>
        tpu.vector_store_idx %scatter3A_376[%shift_right_logical3A_41, %add3A_372], %gather3A_336 : memref<64x128xf32, #tpu.memory_space<vmem>>[vector<16xi32>, vector<16xi32>], vector<16xf32>,
        %add3A_377 = arith.addi %mul3A_88, %and3A_306 : vector<16xi32>
        %scatter3A_378 = arith.constant 0 : i32
        %scatter3A_379 = arith.constant 0 : i32
        %scatter3A_380 = tpu.memref_slice %arg6[%select_n3A_157, %scatter3A_378, %scatter3A_379] : memref<2x64x128xf32, #tpu.memory_space<vmem>> -> memref<1x64x128xf32, #tpu.memory_space<vmem>>
        %scatter3A_381 = tpu.memref_squeeze %scatter3A_380 : memref<1x64x128xf32, #tpu.memory_space<vmem>> -> memref<64x128xf32, #tpu.memory_space<vmem>>
        tpu.vector_store_idx %scatter3A_381[%shift_right_logical3A_44, %add3A_377], %gather3A_341 : memref<64x128xf32, #tpu.memory_space<vmem>>[vector<16xi32>, vector<16xi32>], vector<16xf32>,
        %add3A_382 = arith.addi %mul3A_94, %and3A_306 : vector<16xi32>
        %scatter3A_383 = arith.constant 0 : i32
        %scatter3A_384 = arith.constant 0 : i32
        %scatter3A_385 = tpu.memref_slice %arg6[%select_n3A_157, %scatter3A_383, %scatter3A_384] : memref<2x64x128xf32, #tpu.memory_space<vmem>> -> memref<1x64x128xf32, #tpu.memory_space<vmem>>
        %scatter3A_386 = tpu.memref_squeeze %scatter3A_385 : memref<1x64x128xf32, #tpu.memory_space<vmem>> -> memref<64x128xf32, #tpu.memory_space<vmem>>
        tpu.vector_store_idx %scatter3A_386[%shift_right_logical3A_47, %add3A_382], %gather3A_346 : memref<64x128xf32, #tpu.memory_space<vmem>>[vector<16xi32>, vector<16xi32>], vector<16xf32>,
      }
      %scan3A_191 = arith.constant 32 : i32
      %mul3A_192 = arith.constant 32 : i32
      %mul3A_193 = arith.muli %while3A_142, %mul3A_192 : i32
      %add3A_194 = arith.addi %add3A, %mul3A_193 : i32
      %mul3A_195 = arith.constant 64 : i32
      %mul3A_196 = arith.muli %add3A_194, %mul3A_195 : i32
      %dma_start3A = arith.constant 0 : i32
      %dma_start3A_197 = arith.constant 0 : i32
      %dma_start3A_198 = tpu.memref_slice %arg6[%select_n3A_157, %dma_start3A, %dma_start3A_197] : memref<2x64x128xf32, #tpu.memory_space<vmem>> -> memref<1x64x128xf32, #tpu.memory_space<vmem>>
      %dma_start3A_199 = tpu.memref_squeeze %dma_start3A_198 : memref<1x64x128xf32, #tpu.memory_space<vmem>> -> memref<64x128xf32, #tpu.memory_space<vmem>>
      %dma_start3A_200 = arith.constant 0 : i32
      %dma_start3A_201 = tpu.memref_slice %arg4[%mul3A_196, %dma_start3A_200] : memref<105608x128xf32, #tpu.memory_space<hbm>> -> memref<64x128xf32, #tpu.memory_space<hbm>>
      %dma_start3A_202 = tpu.memref_slice %arg8[%select_n3A_157] : memref<2x!tpu.dma_semaphore, #tpu.memory_space<semaphore_mem>> -> memref<1x!tpu.dma_semaphore, #tpu.memory_space<semaphore_mem>>
      %dma_start3A_203 = tpu.memref_squeeze %dma_start3A_202 : memref<1x!tpu.dma_semaphore, #tpu.memory_space<semaphore_mem>> -> memref<!tpu.dma_semaphore, #tpu.memory_space<semaphore_mem>>
      %dma_start3A_204 = arith.constant 0 : i32
      %dma_start3A_205 = tpu.memref_slice %arg4[%mul3A_196, %dma_start3A_204] : memref<105608x128xf32, #tpu.memory_space<hbm>> -> memref<64x128xf32, #tpu.memory_space<hbm>>
      %dma_start3A_206 = arith.constant 0 : i32
      %dma_start3A_207 = arith.constant 0 : i32
      %dma_start3A_208 = tpu.memref_slice %arg6[%select_n3A_157, %dma_start3A_206, %dma_start3A_207] : memref<2x64x128xf32, #tpu.memory_space<vmem>> -> memref<1x64x128xf32, #tpu.memory_space<vmem>>
      %dma_start3A_209 = tpu.memref_squeeze %dma_start3A_208 : memref<1x64x128xf32, #tpu.memory_space<vmem>> -> memref<64x128xf32, #tpu.memory_space<vmem>>
      tpu.enqueue_dma source(%dma_start3A_209 : memref<64x128xf32, #tpu.memory_space<vmem>>) target(%dma_start3A_205 : memref<64x128xf32, #tpu.memory_space<hbm>>) target_semaphore(%dma_start3A_203 : memref<!tpu.dma_semaphore, #tpu.memory_space<semaphore_mem>>)
    }
    %ge3A = arith.constant 2 : i32
    %ge3A_129 = arith.cmpi sge, %select_n3A, %ge3A : i32
    %convert_element_type3A_130 = arith.extui %ge3A_129 : i1 to i32
    %cond3A_131 = arith.constant 0 : i32
    %cond3A_132 = arith.cmpi ne, %convert_element_type3A_130, %cond3A_131 : i32
    scf.if %cond3A_132 {
      %sub3A_142 = arith.constant 2 : i32
      %sub3A_143 = arith.subi %select_n3A, %sub3A_142 : i32
      %jit3A_144 = arith.constant 2 : i32
      %eq3A_145 = arith.constant 0 : i32
      %eq3A_146 = arith.cmpi eq, %jit3A_144, %eq3A_145 : i32
      %jit3A_147 = arith.constant 1 : i32
      %select_n3A_148 = arith.select %eq3A_146, %jit3A_147, %jit3A_144 : i32
      %rem3A_149 = arith.remsi %select_n3A, %select_n3A_148 : i32
      %ne3A_150 = arith.constant 0 : i32
      %ne3A_151 = arith.cmpi ne, %rem3A_149, %ne3A_150 : i32
      %lt3A = arith.constant 0 : i32
      %lt3A_152 = arith.cmpi slt, %rem3A_149, %lt3A : i32
      %lt3A_153 = arith.constant 0 : i32
      %lt3A_154 = arith.cmpi slt, %select_n3A_148, %lt3A_153 : i32
      %ne3A_155 = arith.xori %lt3A_152, %lt3A_154 : i1
      %and3A_156 = arith.andi %ne3A_155, %ne3A_151 : i1
      %add3A_157 = arith.addi %rem3A_149, %select_n3A_148 : i32
      %select_n3A_158 = arith.select %and3A_156, %add3A_157, %rem3A_149 : i32
      %mul3A_159 = arith.constant 32 : i32
      %mul3A_160 = arith.muli %sub3A_143, %mul3A_159 : i32
      %add3A_161 = arith.addi %add3A, %mul3A_160 : i32
      %mul3A_162 = arith.constant 64 : i32
      %mul3A_163 = arith.muli %add3A_161, %mul3A_162 : i32
      %dma_wait3A = arith.constant 0 : i32
      %dma_wait3A_164 = arith.constant 0 : i32
      %dma_wait3A_165 = tpu.memref_slice %arg6[%select_n3A_158, %dma_wait3A, %dma_wait3A_164] : memref<2x64x128xf32, #tpu.memory_space<vmem>> -> memref<1x64x128xf32, #tpu.memory_space<vmem>>
      %dma_wait3A_166 = tpu.memref_squeeze %dma_wait3A_165 : memref<1x64x128xf32, #tpu.memory_space<vmem>> -> memref<64x128xf32, #tpu.memory_space<vmem>>
      %dma_wait3A_167 = arith.constant 0 : i32
      %dma_wait3A_168 = tpu.memref_slice %arg4[%mul3A_163, %dma_wait3A_167] : memref<105608x128xf32, #tpu.memory_space<hbm>> -> memref<64x128xf32, #tpu.memory_space<hbm>>
      %dma_wait3A_169 = tpu.memref_slice %arg8[%select_n3A_158] : memref<2x!tpu.dma_semaphore, #tpu.memory_space<semaphore_mem>> -> memref<1x!tpu.dma_semaphore, #tpu.memory_space<semaphore_mem>>
      %dma_wait3A_170 = tpu.memref_squeeze %dma_wait3A_169 : memref<1x!tpu.dma_semaphore, #tpu.memory_space<semaphore_mem>> -> memref<!tpu.dma_semaphore, #tpu.memory_space<semaphore_mem>>
      %dma_wait3A_171 = arith.constant 0 : i32
      %dma_wait3A_172 = tpu.memref_slice %arg4[%mul3A_163, %dma_wait3A_171] : memref<105608x128xf32, #tpu.memory_space<hbm>> -> memref<64x128xf32, #tpu.memory_space<hbm>>
      %dma_wait3A_173 = arith.constant 0 : i32
      %dma_wait3A_174 = arith.constant 0 : i32
      %dma_wait3A_175 = tpu.memref_slice %arg6[%select_n3A_158, %dma_wait3A_173, %dma_wait3A_174] : memref<2x64x128xf32, #tpu.memory_space<vmem>> -> memref<1x64x128xf32, #tpu.memory_space<vmem>>
      %dma_wait3A_176 = tpu.memref_squeeze %dma_wait3A_175 : memref<1x64x128xf32, #tpu.memory_space<vmem>> -> memref<64x128xf32, #tpu.memory_space<vmem>>
      tpu.wait_dma2 semaphore(%dma_wait3A_170 : memref<!tpu.dma_semaphore, #tpu.memory_space<semaphore_mem>>) src(%dma_wait3A_176 : memref<64x128xf32, #tpu.memory_space<vmem>>) dst(%dma_wait3A_172 : memref<64x128xf32, #tpu.memory_space<hbm>>)
    } else {
    }
    %ge3A_133 = arith.constant 1 : i32
    %ge3A_134 = arith.cmpi sge, %select_n3A, %ge3A_133 : i32
    %convert_element_type3A_135 = arith.extui %ge3A_134 : i1 to i32
    %cond3A_136 = arith.constant 0 : i32
    %cond3A_137 = arith.cmpi ne, %convert_element_type3A_135, %cond3A_136 : i32
    scf.if %cond3A_137 {
      %sub3A_142 = arith.constant 1 : i32
      %sub3A_143 = arith.subi %select_n3A, %sub3A_142 : i32
      %add3A_144 = arith.constant 1 : i32
      %add3A_145 = arith.addi %select_n3A, %add3A_144 : i32
      %jit3A_146 = arith.constant 2 : i32
      %eq3A_147 = arith.constant 0 : i32
      %eq3A_148 = arith.cmpi eq, %jit3A_146, %eq3A_147 : i32
      %jit3A_149 = arith.constant 1 : i32
      %select_n3A_150 = arith.select %eq3A_148, %jit3A_149, %jit3A_146 : i32
      %rem3A_151 = arith.remsi %add3A_145, %select_n3A_150 : i32
      %ne3A_152 = arith.constant 0 : i32
      %ne3A_153 = arith.cmpi ne, %rem3A_151, %ne3A_152 : i32
      %lt3A = arith.constant 0 : i32
      %lt3A_154 = arith.cmpi slt, %rem3A_151, %lt3A : i32
      %lt3A_155 = arith.constant 0 : i32
      %lt3A_156 = arith.cmpi slt, %select_n3A_150, %lt3A_155 : i32
      %ne3A_157 = arith.xori %lt3A_154, %lt3A_156 : i1
      %and3A_158 = arith.andi %ne3A_157, %ne3A_153 : i1
      %add3A_159 = arith.addi %rem3A_151, %select_n3A_150 : i32
      %select_n3A_160 = arith.select %and3A_158, %add3A_159, %rem3A_151 : i32
      %mul3A_161 = arith.constant 32 : i32
      %mul3A_162 = arith.muli %sub3A_143, %mul3A_161 : i32
      %add3A_163 = arith.addi %add3A, %mul3A_162 : i32
      %mul3A_164 = arith.constant 64 : i32
      %mul3A_165 = arith.muli %add3A_163, %mul3A_164 : i32
      %dma_wait3A = arith.constant 0 : i32
      %dma_wait3A_166 = arith.constant 0 : i32
      %dma_wait3A_167 = tpu.memref_slice %arg6[%select_n3A_160, %dma_wait3A, %dma_wait3A_166] : memref<2x64x128xf32, #tpu.memory_space<vmem>> -> memref<1x64x128xf32, #tpu.memory_space<vmem>>
      %dma_wait3A_168 = tpu.memref_squeeze %dma_wait3A_167 : memref<1x64x128xf32, #tpu.memory_space<vmem>> -> memref<64x128xf32, #tpu.memory_space<vmem>>
      %dma_wait3A_169 = arith.constant 0 : i32
      %dma_wait3A_170 = tpu.memref_slice %arg4[%mul3A_165, %dma_wait3A_169] : memref<105608x128xf32, #tpu.memory_space<hbm>> -> memref<64x128xf32, #tpu.memory_space<hbm>>
      %dma_wait3A_171 = tpu.memref_slice %arg8[%select_n3A_160] : memref<2x!tpu.dma_semaphore, #tpu.memory_space<semaphore_mem>> -> memref<1x!tpu.dma_semaphore, #tpu.memory_space<semaphore_mem>>
      %dma_wait3A_172 = tpu.memref_squeeze %dma_wait3A_171 : memref<1x!tpu.dma_semaphore, #tpu.memory_space<semaphore_mem>> -> memref<!tpu.dma_semaphore, #tpu.memory_space<semaphore_mem>>
      %dma_wait3A_173 = arith.constant 0 : i32
      %dma_wait3A_174 = tpu.memref_slice %arg4[%mul3A_165, %dma_wait3A_173] : memref<105608x128xf32, #tpu.memory_space<hbm>> -> memref<64x128xf32, #tpu.memory_space<hbm>>
      %dma_wait3A_175 = arith.constant 0 : i32
      %dma_wait3A_176 = arith.constant 0 : i32
      %dma_wait3A_177 = tpu.memref_slice %arg6[%select_n3A_160, %dma_wait3A_175, %dma_wait3A_176] : memref<2x64x128xf32, #tpu.memory_space<vmem>> -> memref<1x64x128xf32, #tpu.memory_space<vmem>>
      %dma_wait3A_178 = tpu.memref_squeeze %dma_wait3A_177 : memref<1x64x128xf32, #tpu.memory_space<vmem>> -> memref<64x128xf32, #tpu.memory_space<vmem>>
      tpu.wait_dma2 semaphore(%dma_wait3A_172 : memref<!tpu.dma_semaphore, #tpu.memory_space<semaphore_mem>>) src(%dma_wait3A_178 : memref<64x128xf32, #tpu.memory_space<vmem>>) dst(%dma_wait3A_174 : memref<64x128xf32, #tpu.memory_space<hbm>>)
    } else {
    }
    %eq3A = arith.constant 0 : i32
    %eq3A_138 = arith.cmpi eq, %add3A, %eq3A : i32
    %convert_element_type3A_139 = arith.extui %eq3A_138 : i1 to i32
    %cond3A_140 = arith.constant 0 : i32
    %cond3A_141 = arith.cmpi ne, %convert_element_type3A_139, %cond3A_140 : i32
    scf.if %cond3A_141 {
      %run_scoped3A = arith.constant 0 : i32
      "tpu.region"() ({
        %run_scoped3A_143 = tpu.sem_alloc : memref<!tpu.dma_semaphore, #tpu.memory_space<semaphore_mem>>
        %dma_start3A = arith.constant 0 : i32
        %dma_start3A_144 = arith.constant 0 : i32
        %dma_start3A_145 = tpu.memref_slice %arg5[%run_scoped3A, %dma_start3A, %dma_start3A_144] : memref<2x64x128xf32, #tpu.memory_space<vmem>> -> memref<1x8x128xf32, #tpu.memory_space<vmem>>
        %dma_start3A_146 = tpu.memref_squeeze %dma_start3A_145 : memref<1x8x128xf32, #tpu.memory_space<vmem>> -> memref<8x128xf32, #tpu.memory_space<vmem>>
        %dma_start3A_147 = arith.constant 0 : i32
        %dma_start3A_148 = arith.constant 0 : i32
        %dma_start3A_149 = tpu.memref_slice %arg5[%run_scoped3A, %dma_start3A_147, %dma_start3A_148] : memref<2x64x128xf32, #tpu.memory_space<vmem>> -> memref<1x8x128xf32, #tpu.memory_space<vmem>>
        %dma_start3A_150 = tpu.memref_squeeze %dma_start3A_149 : memref<1x8x128xf32, #tpu.memory_space<vmem>> -> memref<8x128xf32, #tpu.memory_space<vmem>>
        tpu.enqueue_dma source(%arg3 : memref<8x128xf32, #tpu.memory_space<hbm>>) target(%dma_start3A_150 : memref<8x128xf32, #tpu.memory_space<vmem>>) target_semaphore(%run_scoped3A_143 : memref<!tpu.dma_semaphore, #tpu.memory_space<semaphore_mem>>)
        %dma_wait3A = arith.constant 0 : i32
        %dma_wait3A_151 = arith.constant 0 : i32
        %dma_wait3A_152 = tpu.memref_slice %arg5[%run_scoped3A, %dma_wait3A, %dma_wait3A_151] : memref<2x64x128xf32, #tpu.memory_space<vmem>> -> memref<1x8x128xf32, #tpu.memory_space<vmem>>
        %dma_wait3A_153 = tpu.memref_squeeze %dma_wait3A_152 : memref<1x8x128xf32, #tpu.memory_space<vmem>> -> memref<8x128xf32, #tpu.memory_space<vmem>>
        %dma_wait3A_154 = arith.constant 0 : i32
        %dma_wait3A_155 = arith.constant 0 : i32
        %dma_wait3A_156 = tpu.memref_slice %arg5[%run_scoped3A, %dma_wait3A_154, %dma_wait3A_155] : memref<2x64x128xf32, #tpu.memory_space<vmem>> -> memref<1x8x128xf32, #tpu.memory_space<vmem>>
        %dma_wait3A_157 = tpu.memref_squeeze %dma_wait3A_156 : memref<1x8x128xf32, #tpu.memory_space<vmem>> -> memref<8x128xf32, #tpu.memory_space<vmem>>
        tpu.wait_dma2 semaphore(%run_scoped3A_143 : memref<!tpu.dma_semaphore, #tpu.memory_space<semaphore_mem>>) src(%arg3 : memref<8x128xf32, #tpu.memory_space<hbm>>) dst(%dma_wait3A_157 : memref<8x128xf32, #tpu.memory_space<vmem>>)
        tpu.yield
      }) : () -> ()
      %run_scoped3A_142 = arith.constant 0 : i32
      "tpu.region"() ({
        %run_scoped3A_143 = tpu.sem_alloc : memref<!tpu.dma_semaphore, #tpu.memory_space<semaphore_mem>>
        %dma_start3A = arith.constant 0 : i32
        %dma_start3A_144 = arith.constant 0 : i32
        %dma_start3A_145 = tpu.memref_slice %arg5[%run_scoped3A_142, %dma_start3A, %dma_start3A_144] : memref<2x64x128xf32, #tpu.memory_space<vmem>> -> memref<1x8x128xf32, #tpu.memory_space<vmem>>
        %dma_start3A_146 = tpu.memref_squeeze %dma_start3A_145 : memref<1x8x128xf32, #tpu.memory_space<vmem>> -> memref<8x128xf32, #tpu.memory_space<vmem>>
        %dma_start3A_147 = arith.constant 105600 : i32
        %dma_start3A_148 = arith.constant 0 : i32
        %dma_start3A_149 = tpu.memref_slice %arg4[%dma_start3A_147, %dma_start3A_148] : memref<105608x128xf32, #tpu.memory_space<hbm>> -> memref<8x128xf32, #tpu.memory_space<hbm>>
        %dma_start3A_150 = arith.constant 105600 : i32
        %dma_start3A_151 = arith.constant 0 : i32
        %dma_start3A_152 = tpu.memref_slice %arg4[%dma_start3A_150, %dma_start3A_151] : memref<105608x128xf32, #tpu.memory_space<hbm>> -> memref<8x128xf32, #tpu.memory_space<hbm>>
        %dma_start3A_153 = arith.constant 0 : i32
        %dma_start3A_154 = arith.constant 0 : i32
        %dma_start3A_155 = tpu.memref_slice %arg5[%run_scoped3A_142, %dma_start3A_153, %dma_start3A_154] : memref<2x64x128xf32, #tpu.memory_space<vmem>> -> memref<1x8x128xf32, #tpu.memory_space<vmem>>
        %dma_start3A_156 = tpu.memref_squeeze %dma_start3A_155 : memref<1x8x128xf32, #tpu.memory_space<vmem>> -> memref<8x128xf32, #tpu.memory_space<vmem>>
        tpu.enqueue_dma source(%dma_start3A_156 : memref<8x128xf32, #tpu.memory_space<vmem>>) target(%dma_start3A_152 : memref<8x128xf32, #tpu.memory_space<hbm>>) target_semaphore(%run_scoped3A_143 : memref<!tpu.dma_semaphore, #tpu.memory_space<semaphore_mem>>)
        %dma_wait3A = arith.constant 0 : i32
        %dma_wait3A_157 = arith.constant 0 : i32
        %dma_wait3A_158 = tpu.memref_slice %arg5[%run_scoped3A_142, %dma_wait3A, %dma_wait3A_157] : memref<2x64x128xf32, #tpu.memory_space<vmem>> -> memref<1x8x128xf32, #tpu.memory_space<vmem>>
        %dma_wait3A_159 = tpu.memref_squeeze %dma_wait3A_158 : memref<1x8x128xf32, #tpu.memory_space<vmem>> -> memref<8x128xf32, #tpu.memory_space<vmem>>
        %dma_wait3A_160 = arith.constant 105600 : i32
        %dma_wait3A_161 = arith.constant 0 : i32
        %dma_wait3A_162 = tpu.memref_slice %arg4[%dma_wait3A_160, %dma_wait3A_161] : memref<105608x128xf32, #tpu.memory_space<hbm>> -> memref<8x128xf32, #tpu.memory_space<hbm>>
        %dma_wait3A_163 = arith.constant 105600 : i32
        %dma_wait3A_164 = arith.constant 0 : i32
        %dma_wait3A_165 = tpu.memref_slice %arg4[%dma_wait3A_163, %dma_wait3A_164] : memref<105608x128xf32, #tpu.memory_space<hbm>> -> memref<8x128xf32, #tpu.memory_space<hbm>>
        %dma_wait3A_166 = arith.constant 0 : i32
        %dma_wait3A_167 = arith.constant 0 : i32
        %dma_wait3A_168 = tpu.memref_slice %arg5[%run_scoped3A_142, %dma_wait3A_166, %dma_wait3A_167] : memref<2x64x128xf32, #tpu.memory_space<vmem>> -> memref<1x8x128xf32, #tpu.memory_space<vmem>>
        %dma_wait3A_169 = tpu.memref_squeeze %dma_wait3A_168 : memref<1x8x128xf32, #tpu.memory_space<vmem>> -> memref<8x128xf32, #tpu.memory_space<vmem>>
        tpu.wait_dma2 semaphore(%run_scoped3A_143 : memref<!tpu.dma_semaphore, #tpu.memory_space<semaphore_mem>>) src(%dma_wait3A_169 : memref<8x128xf32, #tpu.memory_space<vmem>>) dst(%dma_wait3A_165 : memref<8x128xf32, #tpu.memory_space<hbm>>)
        tpu.yield
      }) : () -> ()
    } else {
    }
    return
  }
}

</mosaic_0001>

<sc_bundles>
// kernel: _sc_table_stage.3.cloned.1.call-start
scs
__scs_entry_jumppad:
0x0: {  	(pc) =	sbr.rel $0x88, $3  }
0x1: {  	(tag) =	ssettag $0x0;
	lr =	simm.s32 $0x1  }
0x2: {  	[smem:$0x3F9F] =	sst lr;
	_ =	strace $0xD0000000  }
0x3: {  	_ = 	snop  }
0x4: {  	_ = 	snop  }
0x5: {  	_ = 	snop  }
0x6: {  	_ = 	snop  }
0x7: {  	_ = 	snop  }
__scs_overlays_trampoline_lowered:
0x8: {  	[smem:$0x3FAE] =	sst s0  }
0x9: {  	[smem:$0x3FAF] =	sst s1  }
0xa: {  	[smem:$0x3FB0] =	sst s2  }
0xb: {  	[smem:$0x3FB1] =	sst s3  }
0xc: {  	[smem:$0x3FB2] =	sst s4  }
0xd: {  	[smem:$0x3FB3] =	sst s5  }
0xe: {  	[smem:$0x3FB4] =	sst s6  }
0xf: {  	[smem:$0x3FB5] =	sst s7  }
0x10: {  	[smem:$0x3FB6] =	sst s8  }
0x11: {  	[smem:$0x3FB7] =	sst s9;
	s0 =	simm.s32 @!p0 $0x0  }
0x12: {  	s1 =	sld [smem:$0x3F9D];
	s0 =	simm.s32 @p0 $0x1  }
0x13: {  	[smem:$0x3FB8] =	sst s0;
	s0 =	simm.s32 @!p1 $0x0  }
0x14: {  	s2 =	sld [smem:$0x3F9C];
	s0 =	simm.s32 @p1 $0x1  }
0x15: {  	[smem:$0x3FB9] =	sst s0;
	s0 =	simm.s32 @!p2 $0x0  }
0x16: {  	s3 =	sld [smem:$0x3FDB];
	s0 =	simm.s32 @p2 $0x1  }
0x17: {  	s4 =	simm.s32 $0x1BF5;
	[smem:$0x3FBB] =	sst s0  }
0x18: {  	s0 =	sld [smem:$0x3F9E];
	_ =	swait.ge [sflag:s4], $0x0  }
0x19: {  	s7 =	sld [smem:$0x3F9F]  }
0x1a: {  	s8 =	sadd.s32 $0xFFFFE003, lr  }
0x1b: {  	s9 =	sadd.s32 $0xFFFFFEF7, lr;
	s5 =	simm.s32 $0xFFFFFFFF;
	p2 =	slt.u32 s8, $0xFFFFF086  }
0x1c: {  	p1 =	slt.u32 s9, $0xF7A;
	s5 =	simm.s32 @!p2 $0x0  }
0x1d: {  	s5 =	simm.s32 @p1 $0x1;
	p0 =	seq.s32 s7, s2  }
0x1e: {  	s7 =	smul.u32 @!p0 $0xF7A, s2;
	p2 =	seq.s32 @!p0 s5, $0x0  }
0x1f: {  	s9 =	smul.u32 $0xF7A, s1;
	s8 =	simm.s32 @!p0 $0x1BF5;
	p2 =	por !p2, p0  }
0x20: {  	[sflag:s8] =	ssyncset.s32 @!p0 $0xFFFFF086;
	s6 =	sadd.s32 @!p0 s3, s7;
	s7 =	simm.s32 @!p0 $0x108  }
0x21: {  	s3 =	sadd.s32 s3, s9;
	s6 =	sadd.s32 @!p0 $0x88, s6;
	s7 =	simm.s32 @p2 $0x1082  }
0x22: {  	[simem:s7], [sflag:s8] =	dma.local @!p0 [hbm:s6], $0xF7A  }
0x23: {  	s9 =	sor.u32 $0xD0000000, s2;
	s6 =	simm.s32 $0x108;
	_ =	swait.ge @!p0 [sflag:s8], $0x0  }
0x24: {  	s3 =	sadd.s32 $0x88, s3;
	s6 =	simm.s32 @!p1 $0x1082;
	[sflag:s4] =	ssyncset.s32 $0xFFFFF086  }
0x25: {  	[simem:s6], [sflag:s4] =	dma.local [hbm:s3], $0xF7A  }
0x26: {  	[smem:$0x3F9F] =	sst s1;
	(tag) =	ssettag s2;
	_ =	strace s9  }
0x27: {  	s1 =	sld [smem:$0x3FAF]  }
0x28: {  	s2 =	sld [smem:$0x3FB0]  }
0x29: {  	s4 =	sld [smem:$0x3FB2]  }
0x2a: {  	p0 =	seq.s32 s5, $0x0;
	s5 =	sld [smem:$0x3FB3]  }
0x2b: {  	s6 =	sld [smem:$0x3FB4]  }
0x2c: {  	s7 =	sld [smem:$0x3FB5]  }
0x2d: {  	s3 =	simm.s32 $0x108;
	s8 =	sld [smem:$0x3FB6]  }
0x2e: {  	s3 =	simm.s32 @!p0 $0x1082;
	s9 =	sld [smem:$0x3FB7]  }
0x2f: {  	lr =	sadd.s32 s0, s3;
	s0 =	sld [smem:$0x3FAE]  }
0x30: {  	s3 =	sld [smem:$0x3FB1]  }
0x31: {  	[smem:$0x3FBA] =	sst s10  }
0x32: {  	s10 =	sld [smem:$0x3FB8];
	_ =	sdelay $0x3  }
0x33: {  	p0 =	seq.s32 s10, $0x1;
	s10 =	sld [smem:$0x3FBA];
	_ =	sdelay $0x3  }
0x34: {  	[smem:$0x3FBA] =	sst s10  }
0x35: {  	s10 =	sld [smem:$0x3FB9];
	_ =	sdelay $0x3  }
0x36: {  	p1 =	seq.s32 s10, $0x1;
	s10 =	sld [smem:$0x3FBA];
	_ =	sdelay $0x3  }
0x37: {  	[smem:$0x3FBA] =	sst s10  }
0x38: {  	s10 =	sld [smem:$0x3FBB]  }
0x39: {  	_ = 	snop;
	(pc) =	sbr.ind lr, $3  }
0x3a: {  	_ = 	snop  }
0x3b: {  	_ = 	snop  }
0x3c: {  	p2 =	seq.s32 s10, $0x1;
	s10 =	sld [smem:$0x3FBA]  }
0x3d: {  	_ =	shalt  }
0x3e: {  	_ =	shalt  }
0x3f: {  	_ =	shalt  }
0x40: {  	_ =	shalt  }
0x41: {  	_ =	shalt  }
0x42: {  	_ =	shalt  }
0x43: {  	_ =	shalt  }
0x44: {  	_ =	shalt  }
0x45: {  	_ =	shalt  }
0x46: {  	_ =	shalt  }
0x47: {  	_ =	shalt  }
0x48: {  	_ =	shalt  }
0x49: {  	_ =	shalt  }
0x4a: {  	_ =	shalt  }
0x4b: {  	_ =	shalt  }
0x4c: {  	_ =	shalt  }
0x4d: {  	_ =	shalt  }
0x4e: {  	_ =	shalt  }
0x4f: {  	_ =	shalt  }
0x50: {  	_ =	shalt  }
0x51: {  	_ =	shalt  }
0x52: {  	_ =	shalt  }
0x53: {  	_ =	shalt  }
0x54: {  	_ =	shalt  }
0x55: {  	_ =	shalt  }
0x56: {  	_ =	shalt  }
0x57: {  	_ =	shalt  }
0x58: {  	_ =	shalt  }
0x59: {  	_ =	shalt  }
0x5a: {  	_ =	shalt  }
0x5b: {  	_ =	shalt  }
0x5c: {  	_ =	shalt  }
0x5d: {  	_ =	shalt  }
0x5e: {  	_ =	shalt  }
0x5f: {  	_ =	shalt  }
0x60: {  	_ =	shalt  }
0x61: {  	_ =	shalt  }
0x62: {  	_ =	shalt  }
0x63: {  	_ =	shalt  }
0x64: {  	_ =	shalt  }
0x65: {  	_ =	shalt  }
0x66: {  	_ =	shalt  }
0x67: {  	_ =	shalt  }
0x68: {  	_ =	shalt  }
0x69: {  	_ =	shalt  }
0x6a: {  	_ =	shalt  }
0x6b: {  	_ =	shalt  }
0x6c: {  	_ =	shalt  }
0x6d: {  	_ =	shalt  }
0x6e: {  	_ =	shalt  }
0x6f: {  	_ =	shalt  }
0x70: {  	_ =	shalt  }
0x71: {  	_ =	shalt  }
0x72: {  	_ =	shalt  }
0x73: {  	_ =	shalt  }
0x74: {  	_ =	shalt  }
0x75: {  	_ =	shalt  }
0x76: {  	_ =	shalt  }
0x77: {  	_ =	shalt  }
0x78: {  	_ =	shalt  }
0x79: {  	_ =	shalt  }
0x7a: {  	_ =	shalt  }
0x7b: {  	_ =	shalt  }
0x7c: {  	_ =	shalt  }
0x7d: {  	_ =	shalt  }
0x7e: {  	_ =	shalt  }
0x7f: {  	_ =	shalt  }
0x80: {  	_ =	shalt  }
0x81: {  	_ =	shalt  }
0x82: {  	_ =	shalt  }
0x83: {  	_ =	shalt  }
0x84: {  	_ =	shalt  }
0x85: {  	_ =	shalt  }
0x86: {  	_ =	shalt  }
0x87: {  	_ =	shalt  }
.Lfunc_end0:
.L_simem_size_0:
called_computation_lowered:
.L_overlay_start_0:
0x88: {  	s2 =	sld [smem:$0x3FD9]  }
0x89: {  	s3 =	sld [smem:$0x3FFE];
	_ =	sdelay $0x1  }
0x8a: {  	s1 =	srdreg.scid  }
0x8b: {  	s0 =	sand.u32 $0x1, s1  }
0x8c: {  	s18 =	sshll.u32 s0, $0xA;
	s2 =	sadd.s32 s3, s2  }
0x8d: {  	s2 =	sadd.s32 s2, s18  }
0x8e: {  	[smem:$0x3FC6] =	sst s2  }
0x8f: {  	_ = 	snop  }
0x90: {  	s2 =	sld [smem:$0x3FC9]  }
0x91: {  	s19 =	sld [smem:$0x3FC8]  }
0x92: {  	s4 =	sld [smem:$0x3FD0];
	(tm) =	ssettm $0x1  }
0x93: {  	s5 =	sld [smem:$0x3FFB];
	_ =	sdelay $0x3  }
0x94: {  	_ =	strace s5  }
0x95: {  	s5 =	sld [smem:$0x3FFC];
	_ =	sdelay $0x3  }
0x96: {  	_ =	strace s5  }
0x97: {  	s5 =	sld [smem:$0x3FFD];
	_ =	sdelay $0x3  }
0x98: {  	_ =	strace s5  }
0x99: {  	_ =	strace $0x8FFFFFFF  }
0x9a: {  	s20 =	sld [smem:$0x3FDB];
	_ =	sdelay $0x1  }
0x9b: {  	s6 =	simm.s32 $_scs_section_size  }
0x9c: {  	s7 =	simm.s32 $_size__tile_overlayer_lowered;
	s8 =	simm.s32 $_tile_overlayer_lowered  }
0x9d: {  	s23 =	simm.s32 $0x1BFF;
	s22 =	sshll.u32 s8, $0x1;
	s5 =	sadd.s32 s6, s20  }
0x9e: {  	s9 =	simm.s32 $0x0;
	s21 =	sshll.u32 s7, $0x1;
	s7 =	sadd.s32 s22, s5  }
0x9f: {  	[timem:s9], [sflag:s23] =	dma.local [hbm:s7], s21  }
0xa0: {  	_ =	swait.ge [sflag:s23], s21  }
0xa1: {  	s6 =	ssub.s32 $0x0, s21;
	[sflag:s23] =	ssyncset.done $0x0  }
0xa2: {  	[sflag:s23] =	ssyncadd.s32 s6;
	_ =	sdelay $0x1  }
0xa3: {  	s24 =	simm.s32 $0x1B8B  }
0xa4: {  	_ =	swait.ge [sflag:s24], $0x1  }
0xa5: {  	[sflag:s24] =	ssyncset.done $0x0  }
0xa6: {  	s25 =	simm.s32 $0x1B8E;
	[sflag:s24] =	ssyncadd.s32 $0xFFFFFFFF  }
0xa7: {  	s26 =	simm.s32 $execute0_lowered;
	[smem:$0x3FD2] =	sst s25  }
0xa8: {  	s6 =	sshll.u32 s26, $0x1;
	_ =	strace $0x80000046;
	[dreg:$0x1] =	wrdreg $0xFFFFFFFF  }
0xa9: {  	s28 =	simm.s32 $_size_execute0_lowered;
	s5 =	sadd.s32 s5, s6;
	[dreg:$0x0] =	wrdreg $0x0  }
0xaa: {  	s6 =	sshll.u32 s28, $0x1;
	[dreg:$0x2] =	wrdreg s5  }
0xab: {  	[dreg:$0x3] =	wrdreg s6  }
0xac: {  	[dreg:$0x4] =	wrdreg $0xC0  }
0xad: {  	_ =	task [dreg:s9], $0x5FFFF  }
0xae: {  	[dreg:$0x1] =	wrdreg $0xFFFFFFFF  }
0xaf: {  	[dreg:$0x0] =	wrdreg $0x60  }
0xb0: {  	[dreg:$0x2] =	wrdreg s2  }
0xb1: {  	[dreg:$0x3] =	wrdreg s19  }
0xb2: {  	[dreg:$0x4] =	wrdreg s4  }
0xb3: {  	[dreg:$0x5] =	wrdreg $0x9  }
0xb4: {  	_ =	task.clear_ibuf [dreg:s9], $0x6FFFF;
	_ =	strace $0x90000046  }
0xb5: {  	s29 =	simm.s32 $0x9;
	_ =	strace $0x80000048  }
0xb6: {  	_ =	swait.ge [sflag:s29], $0x1  }
0xb7: {  	[sflag:s29] =	ssyncadd.s32 $0xFFFFFFFF  }
0xb8: {  	_ =	strace $0x90000048  }
0xb9: {  	_ =	sfence  }
0xba: {  	s30 =	sld [smem:$0x0];
	_ =	sdelay $0x2  }
0xbb: {  	s31 =	sshll.u32 s1, $0xD;
	s1 =	sshrl.u32 s1, $0x2  }
0xbc: {  	s3 =	sand.u32 $0x4000, s31;
	s1 =	sadd.s32 s1, s30  }
0xbd: {  	s0 =	sor.u32 s3, s0;
	s1 =	sshll.u32 s1, $0x11  }
0xbe: {  	s0 =	sor.u32 s1, s0  }
0xbf: {  	s0 =	sadd.s32 $0x8F2B, s0  }
0xc0: {  	[sflag:s0] =	ssyncadd.remote.s32 $0x1  }
0xc1: {  	_ =	sfence.sel $0xFFFF  }
0xc2: {  	[dreg:$0x0] =	wrdreg $0xFFFFFFFF;
	(pc) =	sbr.abs _section_cstart, $3  }
0xc3: {  	[dreg:$0x1] =	wrdreg $0xFFFFFFFF  }
0xc4: {  	_ =	task.clear_ibuf [dreg:s9], $0x2FFFF;
	_ =	strace $0x9FFFFFFF  }
0xc5: {  	(tm) =	ssettm $0x7FFFFFFF  }
tec
execute0_lowered:
.L_overlay_start_1:
0x0: {  	(tag) =	ssettag $0x1  }
0x1: {  	s1 =	rddreg [dreg:$0x0]  }
0x2: {  	s3 =	rddreg [dreg:$0x1]  }
0x3: {  	s2 =	srdreg.scid;
	s0 =	stileid.u32  }
0x4: {  	s4 =	rddreg [dreg:$0x2];
	s5 =	simm.s32 $0x0;
	s14 =	simm.s32 $0x400  }
0x5: {  	s15 =	simm.s32 $0x19CC00;
	s6 =	sand.u32 $0x1, s2;
	s2 =	rddreg [dreg:$0x3]  }
0x6: {  	s7 =	sshll.u32 s0, $0x1;
	[smem:$0x7FF] =	sst s5;
	s12 =	sadd.s32 $0x19C800, s4  }
0x7: {  	v0 =	vlaneseq.u32;
	s16 =	sor.u32 s6, s7;
	s29 =	ssub.s32 $0x2, s6;
	_ =	strace $0x80000047  }
0x8: {  	v1 =	vor.u32 $0x10, v0;
	v2 =	vor.u32 $0x20, v0;
	v3 =	vmul.u32 $0x40, v0;
	s30 =	ssub.s32 $0x691, s16;
	s8 =	sshrl.u32 s29, $0x1;
	s31 =	sshll.u32 s16, $0x7  }
0x9: {  	v4 =	vor.u32 $0x30, v0;
	v5 =	vor.u32 $0x40, v0;
	v6 =	vor.u32 $0x50, v0;
	s9 =	sshll.u32 s16, $0xD;
	p0 =	sne.s32 s16, $0x0;
	s6 =	sshrl.u32 s30, $0x5  }
0xa: {  	v7 =	vor.u32 $0x60, v0;
	v8 =	vor.u32 $0x70, v0;
	v9 =	vor.u32 $0x400, v3;
	s13 =	ssub.s32 s29, s8;
	s7 =	sadd.s32 s1, s31;
	s10 =	sand.u32 $0x1, s6  }
0xb: {  	v10 =	vor.u32 $0x800, v3;
	v11 =	vor.u32 $0xC00, v3;
	v12 =	vor.u32 $0x1000, v3;
	s8 =	sshll.u32 s16, $0xA;
	s16 =	simm.s32 $0x0;
	s11 =	sxor.u32 $0x1, s10  }
0xc: {  	v13 =	vor.u32 $0x1400, v3;
	v14 =	vor.u32 $0x1800, v3;
	v15 =	vor.u32 $0x1C00, v3;
	s13 =	smax.u32 s13, $0x1;
	s10 =	sadd.s32 $0x3, s10;
	s11 =	sadd.s32 $0x3, s11  }
.LBB2_1:
0xd: {  	[tilespmem:s5], [sflag:$0x1] =	stream.strided.gather [hbm4b:s7+s14], $0x2000, s15, s14, $0x38;
	[tilespmem:$0x8000] =	vst v63  }
0xe: {  	s19 =	simm.s32 $0x0  }
.LBB2_2:
0xf: {  	s18 =	sand.u32 $0x1, s19;
	p2 =	slt.u32 s19, $0x2  }
0x10: {  	s17 =	sadd.s32 $0x1, s19;
	s20 =	sadd.s32 @!p2 $0x3, s18  }
0x11: {  	s22 =	simm.s32 $0x0;
	p1 =	sge.u32 s17, s6;
	_ =	swait.ge @!p2 [sflag:s20], $0x2000  }
0x12: {  	v16 =	vadd.s32 s22, v0;
	s30 =	sadd.s32 $0x1, s18;
	s21 =	sshll.u32 @!p1 s17, $0xF;
	[sflag:s20] =	ssyncset.done @!p2 $0x0  }
0x13: {  	v16 =	vand.u32 $0x3F, v16;
	s23 =	simm.s32 @!p1 $0x400;
	[sflag:s20] =	ssyncadd.s32 @!p2 $0xFFFFE000;
	s20 =	sor.u32 @!p1 s8, s21  }
0x14: {  	s24 =	simm.s32 @!p1 $0x19CC00;
	v17 =	vshll.u32 v16, $0x7;
	s21 =	sand.u32 @!p1 $0x1, s17;
	s20 =	sshrl.u32 @!p1 s20, $0x3  }
0x15: {  	v18 =	vor.u32 v1, v17;
	s22 =	sshll.u32 @!p1 s21, $0xD;
	s21 =	sadd.s32 @!p1 $0x1, s21;
	s20 =	sadd.s32 @!p1 s1, s20  }
0x16: {  	v19 =	vor.u32 v2, v17;
	[tilespmem:s22], [sflag:s21] =	stream.strided.gather @!p1 [hbm4b:s20+s23], $0x2000, s24, s23, $0x38;
	[tilespmem:$0x8000] =	vst v63  }
0x17: {  	v20 =	vor.u32 v0, v17;
	_ =	swait.ge [sflag:s30], $0x2000  }
0x18: {  	v21 =	vor.u32 v7, v17;
	[sflag:s30] =	ssyncset.done $0x0  }
0x19: {  	v22 =	vor.u32 v5, v17;
	s20 =	sshll.u32 s18, $0xD;
	[sflag:s30] =	ssyncadd.s32 $0xFFFFE000  }
0x1a: {  	v23 =	vor.u32 v4, v17;
	v18 =	vld.idx.msk [tilespmem:v18+s20+$0x0], $0xffff  }
0x1b: {  	v24 =	vor.u32 v8, v17;
	v19 =	vld.idx.msk [tilespmem:v19+s20+$0x0], $0xffff  }
0x1c: {  	v25 =	vor.u32 v3, v16;
	v17 =	vor.u32 v6, v17;
	v20 =	vld.idx.msk [tilespmem:v20+s20+$0x0], $0xffff  }
0x1d: {  	v26 =	vor.u32 v9, v16;
	v21 =	vld.idx.msk [tilespmem:v21+s20+$0x0], $0xffff  }
0x1e: {  	v27 =	vor.u32 v10, v16;
	v22 =	vld.idx.msk [tilespmem:v22+s20+$0x0], $0xffff  }
0x1f: {  	v28 =	vor.u32 v11, v16;
	v23 =	vld.idx.msk [tilespmem:v23+s20+$0x0], $0xffff  }
0x20: {  	s31 =	simm.s32 $0x1;
	v30 =	vor.u32 v12, v16;
	s21 =	sor.u32 $0x4000, s20;
	v24 =	vld.idx.msk [tilespmem:v24+s20+$0x0], $0xffff  }
0x21: {  	v29 =	vld.idx.msk [tilespmem:v17+s20+$0x0], $0xffff;
	v17 =	vadd.s32 s31, v0;
	[tilespmem:v25+s21+$0x0] =	vst.idx.msk $0xffff, v20;
	v20 =	vor.u32 v13, v16  }
0x22: {  	v17 =	vand.u32 $0x3F, v17;
	[tilespmem:v26+s21+$0x0] =	vst.idx.msk $0xffff, v18;
	v18 =	vor.u32 v14, v16  }
0x23: {  	v16 =	vor.u32 v15, v16;
	v26 =	vshll.u32 v17, $0x7;
	[tilespmem:v27+s21+$0x0] =	vst.idx.msk $0xffff, v19  }
0x24: {  	v19 =	vor.u32 v1, v26;
	[tilespmem:v28+s21+$0x0] =	vst.idx.msk $0xffff, v23  }
0x25: {  	v23 =	vor.u32 v0, v26;
	[tilespmem:v30+s21+$0x0] =	vst.idx.msk $0xffff, v22  }
0x26: {  	v31 =	vor.u32 v6, v26;
	[tilespmem:v20+s21+$0x0] =	vst.idx.msk $0xffff, v29  }
0x27: {  	v22 =	vor.u32 v7, v26;
	[tilespmem:v18+s21+$0x0] =	vst.idx.msk $0xffff, v21  }
0x28: {  	v21 =	vor.u32 v2, v26;
	[tilespmem:v16+s21+$0x0] =	vst.idx.msk $0xffff, v24  }
0x29: {  	v16 =	vor.u32 v4, v26;
	v20 =	vld.idx.msk [tilespmem:v19+s20+$0x0], $0xffff  }
0x2a: {  	v24 =	vor.u32 v5, v26;
	v25 =	vld.idx.msk [tilespmem:v23+s20+$0x0], $0xffff  }
0x2b: {  	v32 =	vor.u32 v8, v26;
	v26 =	vld.idx.msk [tilespmem:v31+s20+$0x0], $0xffff  }
0x2c: {  	s22 =	simm.s32 $0x2;
	v28 =	vor.u32 v3, v17;
	v19 =	vld.idx.msk [tilespmem:v22+s20+$0x0], $0xffff  }
0x2d: {  	v29 =	vor.u32 v9, v17;
	v22 =	vld.idx.msk [tilespmem:v21+s20+$0x0], $0xffff;
	v21 =	vadd.s32 s22, v0  }
0x2e: {  	v27 =	vor.u32 v10, v17;
	v30 =	vor.u32 v11, v17;
	v23 =	vld.idx.msk [tilespmem:v16+s20+$0x0], $0xffff;
	v16 =	vand.u32 $0x3F, v21  }
0x2f: {  	s23 =	simm.s32 $0x4;
	v18 =	vor.u32 v13, v17;
	v31 =	vor.u32 v12, v17;
	v24 =	vld.idx.msk [tilespmem:v24+s20+$0x0], $0xffff;
	v21 =	vshll.u32 v16, $0x7  }
.LBB2_3:
0x30: {  	p1 =	sne.s32 s23, $0x3E;
	v33 =	vor.u32 v0, v21;
	v32 =	vld.idx.msk [tilespmem:v32+s20+$0x0], $0xffff;
	s24 =	smov.u32 s23;
	s23 =	sadd.s32 $0x2, s23  }
0x31: {  	v34 =	vor.u32 v1, v21;
	[tilespmem:v28+s21+$0x0] =	vst.idx.msk $0xffff, v25;
	v25 =	vor.u32 v14, v17  }
0x32: {  	v28 =	vor.u32 v2, v21;
	v17 =	vor.u32 v15, v17;
	[tilespmem:v29+s21+$0x0] =	vst.idx.msk $0xffff, v20  }
0x33: {  	v20 =	vor.u32 v4, v21;
	[tilespmem:v27+s21+$0x0] =	vst.idx.msk $0xffff, v22  }
0x34: {  	v22 =	vor.u32 v5, v21;
	v27 =	vor.u32 v8, v21;
	[tilespmem:v30+s21+$0x0] =	vst.idx.msk $0xffff, v23  }
0x35: {  	v23 =	vor.u32 v6, v21;
	v21 =	vor.u32 v7, v21;
	[tilespmem:v31+s21+$0x0] =	vst.idx.msk $0xffff, v24  }
0x36: {  	[tilespmem:v18+s21+$0x0] =	vst.idx.msk $0xffff, v26  }
0x37: {  	[tilespmem:v25+s21+$0x0] =	vst.idx.msk $0xffff, v19  }
0x38: {  	[tilespmem:v17+s21+$0x0] =	vst.idx.msk $0xffff, v32  }
0x39: {  	v17 =	vld.idx.msk [tilespmem:v34+s20+$0x0], $0xffff  }
0x3a: {  	v18 =	vld.idx.msk [tilespmem:v28+s20+$0x0], $0xffff  }
0x3b: {  	v19 =	vld.idx.msk [tilespmem:v33+s20+$0x0], $0xffff  }
0x3c: {  	v24 =	vor.u32 v3, v16;
	v21 =	vld.idx.msk [tilespmem:v21+s20+$0x0], $0xffff  }
0x3d: {  	v25 =	vor.u32 v9, v16;
	v22 =	vld.idx.msk [tilespmem:v22+s20+$0x0], $0xffff  }
0x3e: {  	v26 =	vor.u32 v10, v16;
	v20 =	vld.idx.msk [tilespmem:v20+s20+$0x0], $0xffff  }
0x3f: {  	v28 =	vor.u32 v11, v16;
	v27 =	vld.idx.msk [tilespmem:v27+s20+$0x0], $0xffff  }
0x40: {  	s25 =	sadd.s32 $0x1, s22;
	s22 =	smov.u32 s24;
	v29 =	vor.u32 v12, v16;
	v23 =	vld.idx.msk [tilespmem:v23+s20+$0x0], $0xffff  }
0x41: {  	[tilespmem:v24+s21+$0x0] =	vst.idx.msk $0xffff, v19;
	v19 =	vor.u32 v13, v16;
	v24 =	vadd.s32 s25, v0  }
0x42: {  	[tilespmem:v25+s21+$0x0] =	vst.idx.msk $0xffff, v17;
	v25 =	vor.u32 v14, v16;
	v17 =	vand.u32 $0x3F, v24  }
0x43: {  	v16 =	vor.u32 v15, v16;
	[tilespmem:v26+s21+$0x0] =	vst.idx.msk $0xffff, v18;
	v24 =	vshll.u32 v17, $0x7;
	v18 =	vor.u32 v13, v17  }
0x44: {  	[tilespmem:v28+s21+$0x0] =	vst.idx.msk $0xffff, v20;
	v20 =	vor.u32 v1, v24  }
0x45: {  	v26 =	vor.u32 v7, v24;
	[tilespmem:v29+s21+$0x0] =	vst.idx.msk $0xffff, v22;
	v22 =	vor.u32 v0, v24  }
0x46: {  	[tilespmem:v19+s21+$0x0] =	vst.idx.msk $0xffff, v23  }
0x47: {  	[tilespmem:v25+s21+$0x0] =	vst.idx.msk $0xffff, v21;
	v21 =	vor.u32 v2, v24  }
0x48: {  	[tilespmem:v16+s21+$0x0] =	vst.idx.msk $0xffff, v27;
	v16 =	vor.u32 v4, v24  }
0x49: {  	v30 =	vor.u32 v5, v24;
	v20 =	vld.idx.msk [tilespmem:v20+s20+$0x0], $0xffff  }
0x4a: {  	v31 =	vor.u32 v6, v24;
	v19 =	vld.idx.msk [tilespmem:v26+s20+$0x0], $0xffff  }
.Ltmp0:
0x4b: {  	v32 =	vor.u32 v8, v24;
	v28 =	vor.u32 v3, v17;
	v25 =	vld.idx.msk [tilespmem:v22+s20+$0x0], $0xffff;
	(pc) =	sbr.rel @p1 .LBB2_3-.Ltmp0, $4  }
0x4c: {  	v29 =	vor.u32 v9, v17;
	v22 =	vld.idx.msk [tilespmem:v21+s20+$0x0], $0xffff  }
0x4d: {  	v27 =	vor.u32 v10, v17;
	v21 =	vadd.s32 s22, v0;
	v23 =	vld.idx.msk [tilespmem:v16+s20+$0x0], $0xffff  }
0x4e: {  	v16 =	vand.u32 $0x3F, v21;
	v24 =	vld.idx.msk [tilespmem:v30+s20+$0x0], $0xffff;
	v30 =	vor.u32 v11, v17  }
0x4f: {  	v21 =	vshll.u32 v16, $0x7;
	v26 =	vld.idx.msk [tilespmem:v31+s20+$0x0], $0xffff;
	v31 =	vor.u32 v12, v17  }
0x50: {  	_ =	sdelay $0x3  }
0x51: {  	v32 =	vld.idx.msk [tilespmem:v32+s20+$0x0], $0xffff;
	[tilespmem:v28+s21+$0x0] =	vst.idx.msk $0xffff, v25  }
0x52: {  	v35 =	vor.u32 v14, v17;
	[tilespmem:v29+s21+$0x0] =	vst.idx.msk $0xffff, v20  }
0x53: {  	v17 =	vor.u32 v15, v17;
	[tilespmem:v27+s21+$0x0] =	vst.idx.msk $0xffff, v22  }
0x54: {  	v36 =	vor.u32 v1, v21;
	[tilespmem:v30+s21+$0x0] =	vst.idx.msk $0xffff, v23  }
0x55: {  	v37 =	vor.u32 v2, v21;
	[tilespmem:v31+s21+$0x0] =	vst.idx.msk $0xffff, v24  }
0x56: {  	v38 =	vor.u32 v0, v21;
	[tilespmem:v18+s21+$0x0] =	vst.idx.msk $0xffff, v26  }
0x57: {  	v39 =	vor.u32 v7, v21;
	[tilespmem:v35+s21+$0x0] =	vst.idx.msk $0xffff, v19  }
0x58: {  	v40 =	vor.u32 v5, v21;
	[tilespmem:v17+s21+$0x0] =	vst.idx.msk $0xffff, v32  }
0x59: {  	v17 =	vor.u32 v4, v21;
	v20 =	vld.idx.msk [tilespmem:v36+s20+$0x0], $0xffff  }
0x5a: {  	v41 =	vor.u32 v8, v21;
	v22 =	vld.idx.msk [tilespmem:v37+s20+$0x0], $0xffff  }
0x5b: {  	v42 =	vor.u32 v6, v21;
	v43 =	vor.u32 v3, v16;
	v23 =	vld.idx.msk [tilespmem:v38+s20+$0x0], $0xffff  }
0x5c: {  	v44 =	vor.u32 v9, v16;
	v18 =	vld.idx.msk [tilespmem:v39+s20+$0x0], $0xffff  }
0x5d: {  	v45 =	vor.u32 v10, v16;
	v19 =	vld.idx.msk [tilespmem:v40+s20+$0x0], $0xffff  }
0x5e: {  	v46 =	vor.u32 v11, v16;
	v17 =	vld.idx.msk [tilespmem:v17+s20+$0x0], $0xffff  }
0x5f: {  	v47 =	vor.u32 v12, v16;
	s22 =	sadd.s32 $0x1, s22;
	v24 =	vld.idx.msk [tilespmem:v41+s20+$0x0], $0xffff  }
0x60: {  	v48 =	vor.u32 v13, v16;
	v49 =	vadd.s32 s22, v0;
	v21 =	vld.idx.msk [tilespmem:v42+s20+$0x0], $0xffff;
	[tilespmem:v43+s21+$0x0] =	vst.idx.msk $0xffff, v23  }
0x61: {  	v50 =	vor.u32 v14, v16;
	v25 =	vand.u32 $0x3F, v49;
	[tilespmem:v44+s21+$0x0] =	vst.idx.msk $0xffff, v20  }
0x62: {  	v16 =	vor.u32 v15, v16;
	v51 =	vshll.u32 v25, $0x7;
	[tilespmem:v45+s21+$0x0] =	vst.idx.msk $0xffff, v22  }
0x63: {  	[tilespmem:v46+s21+$0x0] =	vst.idx.msk $0xffff, v17;
	v17 =	vor.u32 v1, v51  }
0x64: {  	v52 =	vor.u32 v7, v51;
	[tilespmem:v47+s21+$0x0] =	vst.idx.msk $0xffff, v19  }
0x65: {  	v53 =	vor.u32 v0, v51;
	[tilespmem:v48+s21+$0x0] =	vst.idx.msk $0xffff, v21  }
0x66: {  	v54 =	vor.u32 v2, v51;
	[tilespmem:v50+s21+$0x0] =	vst.idx.msk $0xffff, v18  }
0x67: {  	v55 =	vor.u32 v5, v51;
	[tilespmem:v16+s21+$0x0] =	vst.idx.msk $0xffff, v24  }
0x68: {  	v16 =	vor.u32 v4, v51;
	v17 =	vld.idx.msk [tilespmem:v17+s20+$0x0], $0xffff  }
0x69: {  	v56 =	vor.u32 v6, v51;
	v19 =	vld.idx.msk [tilespmem:v52+s20+$0x0], $0xffff  }
0x6a: {  	v57 =	vor.u32 v3, v25;
	v22 =	vor.u32 v8, v51;
	v23 =	vld.idx.msk [tilespmem:v53+s20+$0x0], $0xffff  }
0x6b: {  	v58 =	vor.u32 v9, v25;
	v18 =	vld.idx.msk [tilespmem:v54+s20+$0x0], $0xffff  }
0x6c: {  	v59 =	vor.u32 v10, v25;
	v20 =	vld.idx.msk [tilespmem:v55+s20+$0x0], $0xffff  }
0x6d: {  	v60 =	vor.u32 v11, v25;
	v16 =	vld.idx.msk [tilespmem:v16+s20+$0x0], $0xffff  }
0x6e: {  	v61 =	vor.u32 v12, v25;
	v21 =	vld.idx.msk [tilespmem:v56+s20+$0x0], $0xffff  }
0x6f: {  	v62 =	vor.u32 v13, v25;
	v22 =	vld.idx.msk [tilespmem:v22+s20+$0x0], $0xffff;
	[tilespmem:v57+s21+$0x0] =	vst.idx.msk $0xffff, v23  }
0x70: {  	v63 =	vor.u32 v14, v25;
	[tilespmem:v58+s21+$0x0] =	vst.idx.msk $0xffff, v17  }
0x71: {  	v17 =	vor.u32 v15, v25;
	[tilespmem:v59+s21+$0x0] =	vst.idx.msk $0xffff, v18  }
0x72: {  	[tilespmem:v60+s21+$0x0] =	vst.idx.msk $0xffff, v16  }
0x73: {  	s19 =	sshll.u32 s19, $0x12;
	p1 =	sne.s32 s17, s6;
	[tilespmem:v61+s21+$0x0] =	vst.idx.msk $0xffff, v20  }
.Ltmp1:
0x74: {  	s19 =	sor.u32 s9, s19;
	[tilespmem:v62+s21+$0x0] =	vst.idx.msk $0xffff, v21;
	(pc) =	sbr.rel @p1 .LBB2_2-.Ltmp1, $4  }
0x75: {  	s19 =	sshrl.u32 s19, $0x3;
	[tilespmem:v63+s21+$0x0] =	vst.idx.msk $0xffff, v19  }
0x76: {  	s18 =	sadd.s32 $0x3, s18;
	s19 =	sadd.s32 s4, s19;
	[tilespmem:v17+s21+$0x0] =	vst.idx.msk $0xffff, v22  }
0x77: {  	[hbm4b:s19+s5] =	stream.linear.scatter [tilespmem:s21], [sflag:s18], $0x2000, $0x38;
	[tilespmem:$0x8000] =	vst v63  }
0x78: {  	s19 =	smov.u32 s17  }
0x79: {  	_ =	swait.ge [sflag:s10], $0x2000  }
0x7a: {  	[sflag:s10] =	ssyncset.done $0x0  }
0x7b: {  	[sflag:s10] =	ssyncadd.s32 $0xFFFFE000  }
0x7c: {  	_ =	swait.ge [sflag:s11], $0x2000  }
0x7d: {  	[sflag:s11] =	ssyncset.done $0x0  }
0x7e: {  	s17 =	simm.s32 @!p0 $0x0;
	s18 =	simm.s32 @!p0 $0x5;
	[sflag:s11] =	ssyncadd.s32 $0xFFFFE000  }
0x7f: {  	[tilespmem:s17], [sflag:$0x5] =	stream.linear.gather @!p0 [hbm4b:s3+s17], $0x400, $0x38;
	[tilespmem:$0x8000] =	vst v63  }
0x80: {  	s16 =	sadd.s32 $0x1, s16;
	_ =	swait.ge @!p0 [sflag:s18], $0x400  }
0x81: {  	p1 =	sne.s32 s16, s13;
	[sflag:s18] =	ssyncset.done @!p0 $0x0  }
.Ltmp2:
0x82: {  	[sflag:s18] =	ssyncadd.s32 @!p0 $0xFFFFFC00;
	(pc) =	sbr.rel @p1 .LBB2_1-.Ltmp2, $4  }
0x83: {  	[hbm4b:s12+s17] =	stream.linear.scatter @!p0 [tilespmem:s17], [sflag:$0x5], $0x400, $0x38;
	[tilespmem:$0x8000] =	vst v63  }
0x84: {  	_ =	swait.ge @!p0 [sflag:s18], $0x400  }
0x85: {  	[sflag:s18] =	ssyncset.done @!p0 $0x0  }
0x86: {  	[sflag:s18] =	ssyncadd.s32 @!p0 $0xFFFFFC00  }
0x87: {  	_ =	sfence.sel $0x180000  }
0x88: {  	[bflag:$0x0] =	sbarrier.arrive $0xFFFF  }
0x89: {  	p0 =	sne.s32 s0, $0x0;
	_ =	strace $0x90000047  }
0x8a: {  	s0 =	sadd.s32 @!p0 $0x100000, s2;
	[bflag:$0x2] =	sbarrier.arrive $0xFFFF  }
0x8b: {  	[sflag:s0] =	ssyncadd.tile.s32 @!p0 $0x1;
	_ =	shalt  }
.Lfunc_end2:
_tile_overlayer_lowered:
.L_overlay_start_2:
0x8c: {  	(tag) =	ssettag $0x2  }
0x8d: {  	s0 =	rddreg [dreg:$0x0];
	s2 =	stileid.u32  }
0x8e: {  	s1 =	rddreg [dreg:$0x1];
	p0 =	sne.s32 s2, $0x0  }
0x8f: {  	s3 =	rddreg [dreg:$0x2];
	[bflag:$0x3] =	sbarrier.arrive $0xFFFF;
	s2 =	simm.s32 @!p0 $0x1C05  }
0x90: {  	[timem:s3], [sflag:s2] =	dma.local @!p0 [hbm:s0], s1  }
0x91: {  	s0 =	simm.s32 @!p0 $0x5  }
0x92: {  	_ =	swait.ge @!p0 [sflag:s0], s1  }
0x93: {  	s1 =	ssub.s32 @!p0 $0x0, s1;
	[sflag:s0] =	ssyncset.done @!p0 $0x0  }
0x94: {  	[sflag:s0] =	ssyncadd.s32 @!p0 s1  }
0x95: {  	[bflag:$0x3] =	sbarrier.arrive $0xFFFF  }
0x96: {  	_ =	shalt  }

</sc_bundles>
